<compile_context>
chip_gen: v7x
topology: tpu7x:2x2x1
jax: 0.10.2.dev20260603
libtpu: 0.0.44.dev20260713+nightly
codegen_flags: <defaults>
</compile_context>

<pallas_src>
import functools

import jax
import jax.numpy as jnp
from jax import lax
from jax.experimental import pallas as pl
from jax.experimental.pallas import tpu as pltpu
from jax.experimental.pallas import tpu_sc as plsc

VOCAB = 1_000_000
DIM = 64
BATCH = 16384
L = 50

COLS_BLK = 32768
TC_GRID = pl.cdiv(VOCAB, COLS_BLK)


def _matvec_body(x_ref, w_ref, b_ref, t_ref):
    t = jnp.sum(x_ref[...] * w_ref[...], axis=0)
    t_ref[...] = t + b_ref[...] * (1.0 / L)


def _matvec(table_t, W, b):
    return pl.pallas_call(
        _matvec_body,
        grid=(TC_GRID,),
        in_specs=[
            pl.BlockSpec((DIM, COLS_BLK), lambda i: (0, i)),
            pl.BlockSpec((DIM, 1), lambda i: (0, 0)),
            pl.BlockSpec((1,), lambda i: (0,)),
        ],
        out_specs=pl.BlockSpec((COLS_BLK,), lambda i: (i,)),
        out_shape=jax.ShapeDtypeStruct((VOCAB,), jnp.float32),
    )(table_t, W, b)


NC, NS = 2, 16
NW = NC * NS
RPW = BATCH // NW
IPW = RPW * L
CHUNK = 128
NCHUNK = IPW // CHUNK
CPL = RPW // CHUNK
GROUPS = RPW // 16


def _sc_body(t_hbm, bt_hbm, out_hbm, idx_v, vals_v, out_v, sem):
    wid = lax.axis_index("s") * NC + lax.axis_index("c")
    base = wid * RPW

    pltpu.sync_copy(bt_hbm.at[:, pl.ds(base, RPW)], idx_v)

    def _issue(c, carry):
        l = c // CPL
        cc = c % CPL
        pltpu.make_async_copy(
            t_hbm.at[idx_v.at[l, pl.ds(cc * CHUNK, CHUNK)]],
            vals_v.at[pl.ds(c * CHUNK, CHUNK)],
            sem,
        ).start()
        return carry

    lax.fori_loop(0, NCHUNK, _issue, 0)

    def _drain(c, carry):
        l = c // CPL
        cc = c % CPL
        pltpu.make_async_copy(
            t_hbm.at[idx_v.at[l, pl.ds(cc * CHUNK, CHUNK)]],
            vals_v.at[pl.ds(c * CHUNK, CHUNK)],
            sem,
        ).wait()
        return carry

    lax.fori_loop(0, NCHUNK, _drain, 0)

    def _reduce(g, carry):
        acc = jnp.zeros((16,), jnp.float32)
        for l in range(L):
            acc = acc + vals_v[pl.ds(l * RPW + g * 16, 16)]
        out_v[pl.ds(g * 16, 16)] = acc
        return carry

    lax.fori_loop(0, GROUPS, _reduce, 0)

    pltpu.sync_copy(out_v, out_hbm.at[pl.ds(base, RPW)])


@functools.cache
def _sc_gather():
    return functools.partial(
        pl.kernel,
        out_type=jax.ShapeDtypeStruct((BATCH,), jnp.float32),
        mesh=plsc.VectorSubcoreMesh(core_axis_name="c", subcore_axis_name="s"),
        scratch_types=[
            pltpu.VMEM((L, RPW), jnp.int32),
            pltpu.VMEM((IPW,), jnp.float32),
            pltpu.VMEM((RPW,), jnp.float32),
            pltpu.SemaphoreType.DMA,
        ],
    )(_sc_body)


def kernel(batch, table, W, b):
    bt = batch.astype(jnp.int32).T
    t = _matvec(table.T, W, b)
    return _sc_gather()(t, bt)

# --- scband reference (transcript-rebuilt; emitter-appended) ---
"""Pipeline reference for scband-cbow-61761629716956 (READ-ONLY COPY).

The authoritative reference and input builder live on the scoring server;
editing this copy changes nothing except your own understanding.
"""

import jax, jax.numpy as jnp
import numpy as np

VOCAB = 1000000
DIM = 64
B = 16384
L = 50


def setup_inputs(seed: int = 0) -> dict:
    key = jax.random.key(seed)
    k1, k2, k3 = jax.random.split(key, 3)
    batch = jax.random.randint(k1, (B, L), 0, VOCAB)
    table = jax.random.normal(k2, (VOCAB, DIM), dtype=jnp.float32) * 0.02
    W = jax.random.normal(k3, (DIM, 1), dtype=jnp.float32) * 0.1
    b = jnp.zeros((1,), dtype=jnp.float32)
    return {"batch": batch, "table": table, "W": W, "b": b}


def reference(batch, table, W, b):
    # emb_prod = self.embed(batch)
    emb_prod = jnp.take(table, batch, axis=0)  # [B, L, DIM]
    # cont_bow = torch.sum(emb_prod, 1)
    cont_bow = jnp.sum(emb_prod, axis=1)  # [B, DIM]
    # linear_separator = self.w(cont_bow)
    linear_separator = cont_bow @ W + b  # [B, 1]
    # return linear_separator.squeeze()
    return jnp.squeeze(linear_separator, axis=-1)  # [B]

if __name__ == "__main__":
    import jax
    _d = setup_inputs()
    print(jax.jit(kernel)(*tuple(_d.values())))

</pallas_src>

<mosaic_0001>
#map = affine_map<(d0, d1) -> (0)>
#map1 = affine_map<(d0, d1) -> (0, 0)>
module attributes {stable_mosaic.version = 14 : i64} {
  func.func @_sc_body(%arg0: i32, %arg1: i32, %arg2: memref<1000000xf32, #tpu.memory_space<hbm>>, %arg3: memref<50x16384xi32, #tpu.memory_space<hbm>>, %arg4: memref<16384xf32, #tpu.memory_space<hbm>>, %arg5: memref<50x512xi32, #tpu.memory_space<vmem>>, %arg6: memref<25600xf32, #tpu.memory_space<vmem>>, %arg7: memref<512xf32, #tpu.memory_space<vmem>>, %arg8: memref<!tpu.dma_semaphore, #tpu.memory_space<semaphore_mem>>) attributes {dimension_semantics = [#tpu.dimension_semantics<core_parallel>, #tpu.dimension_semantics<subcore_parallel>], iteration_bounds = array<i64: 2, 16>, scalar_prefetch = 0 : i64, scratch_operands = 4 : i64, tpu.core_type = #tpu.core_type<sc_vector_subcore>, window_params = [{transform_indices = #map}, {transform_indices = #map1}, {transform_indices = #map}]} {
    %mul3A = arith.constant 2 : i32
    %mul3A_0 = arith.muli %arg1, %mul3A : i32
    %add3A = arith.addi %mul3A_0, %arg0 : i32
    %mul3A_1 = arith.constant 512 : i32
    %mul3A_2 = arith.muli %add3A, %mul3A_1 : i32
    "tpu.region"() ({
      %run_scoped3A = tpu.sem_alloc : memref<!tpu.dma_semaphore, #tpu.memory_space<semaphore_mem>>
      %dma_start3A = arith.constant 0 : i32
      %dma_start3A_20 = tpu.memref_slice %arg3[%dma_start3A, %mul3A_2] : memref<50x16384xi32, #tpu.memory_space<hbm>> -> memref<50x512xi32, #tpu.memory_space<hbm>>
      %dma_start3A_21 = arith.constant 0 : i32
      %dma_start3A_22 = tpu.memref_slice %arg3[%dma_start3A_21, %mul3A_2] : memref<50x16384xi32, #tpu.memory_space<hbm>> -> memref<50x512xi32, #tpu.memory_space<hbm>>
      tpu.enqueue_dma source(%dma_start3A_22 : memref<50x512xi32, #tpu.memory_space<hbm>>) target(%arg5 : memref<50x512xi32, #tpu.memory_space<vmem>>) target_semaphore(%run_scoped3A : memref<!tpu.dma_semaphore, #tpu.memory_space<semaphore_mem>>)
      %dma_wait3A = arith.constant 0 : i32
      %dma_wait3A_23 = tpu.memref_slice %arg3[%dma_wait3A, %mul3A_2] : memref<50x16384xi32, #tpu.memory_space<hbm>> -> memref<50x512xi32, #tpu.memory_space<hbm>>
      %dma_wait3A_24 = arith.constant 0 : i32
      %dma_wait3A_25 = tpu.memref_slice %arg3[%dma_wait3A_24, %mul3A_2] : memref<50x16384xi32, #tpu.memory_space<hbm>> -> memref<50x512xi32, #tpu.memory_space<hbm>>
      tpu.wait_dma2 semaphore(%run_scoped3A : memref<!tpu.dma_semaphore, #tpu.memory_space<semaphore_mem>>) src(%dma_wait3A_25 : memref<50x512xi32, #tpu.memory_space<hbm>>) dst(%arg5 : memref<50x512xi32, #tpu.memory_space<vmem>>)
      tpu.yield
    }) : () -> ()
    %scan3A = arith.constant 0 : i32
    %scan3A_3 = arith.constant 0 : i32
    %scan3A_4 = arith.constant 200 : i32
    %scan3A_5 = arith.addi %scan3A_3, %scan3A_4 : i32
    %scan3A_6 = arith.constant 1 : i32
    scf.for %scan3A_20 = %scan3A_3 to %scan3A_5 step %scan3A_6  : i32 {
      %jit3A = arith.constant 4 : i32
      %div3A = arith.divsi %scan3A_20, %jit3A : i32
      %sign3A = arith.constant 0 : i32
      %sign3A_21 = arith.cmpi sgt, %scan3A_20, %sign3A : i32
      %sign3A_22 = arith.extui %sign3A_21 : i1 to i32
      %sign3A_23 = arith.constant 0 : i32
      %sign3A_24 = arith.cmpi slt, %scan3A_20, %sign3A_23 : i32
      %sign3A_25 = arith.extui %sign3A_24 : i1 to i32
      %sign3A_26 = arith.subi %sign3A_22, %sign3A_25 : i32
      %sign3A_27 = arith.constant 0 : i32
      %sign3A_28 = arith.cmpi sgt, %jit3A, %sign3A_27 : i32
      %sign3A_29 = arith.extui %sign3A_28 : i1 to i32
      %sign3A_30 = arith.constant 0 : i32
      %sign3A_31 = arith.cmpi slt, %jit3A, %sign3A_30 : i32
      %sign3A_32 = arith.extui %sign3A_31 : i1 to i32
      %sign3A_33 = arith.subi %sign3A_29, %sign3A_32 : i32
      %ne3A = arith.cmpi ne, %sign3A_26, %sign3A_33 : i32
      %rem3A = arith.remsi %scan3A_20, %jit3A : i32
      %ne3A_34 = arith.constant 0 : i32
      %ne3A_35 = arith.cmpi ne, %rem3A, %ne3A_34 : i32
      %and3A = arith.andi %ne3A, %ne3A_35 : i1
      %sub3A = arith.constant 1 : i32
      %sub3A_36 = arith.subi %div3A, %sub3A : i32
      %select_n3A = arith.select %and3A, %sub3A_36, %div3A : i32
      %jit3A_37 = arith.constant 4 : i32
      %eq3A = arith.constant 0 : i32
      %eq3A_38 = arith.cmpi eq, %jit3A_37, %eq3A : i32
      %jit3A_39 = arith.constant 1 : i32
      %select_n3A_40 = arith.select %eq3A_38, %jit3A_39, %jit3A_37 : i32
      %rem3A_41 = arith.remsi %scan3A_20, %select_n3A_40 : i32
      %ne3A_42 = arith.constant 0 : i32
      %ne3A_43 = arith.cmpi ne, %rem3A_41, %ne3A_42 : i32
      %lt3A = arith.constant 0 : i32
      %lt3A_44 = arith.cmpi slt, %rem3A_41, %lt3A : i32
      %lt3A_45 = arith.constant 0 : i32
      %lt3A_46 = arith.cmpi slt, %select_n3A_40, %lt3A_45 : i32
      %ne3A_47 = arith.xori %lt3A_44, %lt3A_46 : i1
      %and3A_48 = arith.andi %ne3A_47, %ne3A_43 : i1
      %add3A_49 = arith.addi %rem3A_41, %select_n3A_40 : i32
      %select_n3A_50 = arith.select %and3A_48, %add3A_49, %rem3A_41 : i32
      %mul3A_51 = arith.constant 128 : i32
      %mul3A_52 = arith.muli %select_n3A_50, %mul3A_51 : i32
      %mul3A_53 = arith.constant 128 : i32
      %mul3A_54 = arith.muli %scan3A_20, %mul3A_53 : i32
      %dma_start3A = tpu.memref_slice %arg6[%mul3A_54] : memref<25600xf32, #tpu.memory_space<vmem>> -> memref<128xf32, #tpu.memory_space<vmem>>
      %dma_start3A_55 = tpu.memref_slice %arg5[%select_n3A, %mul3A_52] : memref<50x512xi32, #tpu.memory_space<vmem>> -> memref<1x128xi32, #tpu.memory_space<vmem>>
      %dma_start3A_56 = tpu.memref_squeeze %dma_start3A_55 : memref<1x128xi32, #tpu.memory_space<vmem>> -> memref<128xi32, #tpu.memory_space<vmem>>
      %dma_start3A_57 = arith.constant 0 : i32
      %dma_start3A_58 = tpu.memref_slice %arg2[%dma_start3A_57] : memref<1000000xf32, #tpu.memory_space<hbm>> -> memref<1000000xf32, #tpu.memory_space<hbm>>
      tpu.enqueue_indirect_dma source(%dma_start3A_58 : memref<1000000xf32, #tpu.memory_space<hbm>>) target(%dma_start3A : memref<128xf32, #tpu.memory_space<vmem>>) offsets(%dma_start3A_56 : memref<128xi32, #tpu.memory_space<vmem>>) semaphore(%arg8 : memref<!tpu.dma_semaphore, #tpu.memory_space<semaphore_mem>>)
    }
    %scan3A_7 = arith.constant 200 : i32
    %scan3A_8 = arith.constant 0 : i32
    %scan3A_9 = arith.constant 0 : i32
    %scan3A_10 = arith.constant 200 : i32
    %scan3A_11 = arith.addi %scan3A_9, %scan3A_10 : i32
    %scan3A_12 = arith.constant 1 : i32
    scf.for %scan3A_20 = %scan3A_9 to %scan3A_11 step %scan3A_12  : i32 {
      %jit3A = arith.constant 4 : i32
      %div3A = arith.divsi %scan3A_20, %jit3A : i32
      %sign3A = arith.constant 0 : i32
      %sign3A_21 = arith.cmpi sgt, %scan3A_20, %sign3A : i32
      %sign3A_22 = arith.extui %sign3A_21 : i1 to i32
      %sign3A_23 = arith.constant 0 : i32
      %sign3A_24 = arith.cmpi slt, %scan3A_20, %sign3A_23 : i32
      %sign3A_25 = arith.extui %sign3A_24 : i1 to i32
      %sign3A_26 = arith.subi %sign3A_22, %sign3A_25 : i32
      %sign3A_27 = arith.constant 0 : i32
      %sign3A_28 = arith.cmpi sgt, %jit3A, %sign3A_27 : i32
      %sign3A_29 = arith.extui %sign3A_28 : i1 to i32
      %sign3A_30 = arith.constant 0 : i32
      %sign3A_31 = arith.cmpi slt, %jit3A, %sign3A_30 : i32
      %sign3A_32 = arith.extui %sign3A_31 : i1 to i32
      %sign3A_33 = arith.subi %sign3A_29, %sign3A_32 : i32
      %ne3A = arith.cmpi ne, %sign3A_26, %sign3A_33 : i32
      %rem3A = arith.remsi %scan3A_20, %jit3A : i32
      %ne3A_34 = arith.constant 0 : i32
      %ne3A_35 = arith.cmpi ne, %rem3A, %ne3A_34 : i32
      %and3A = arith.andi %ne3A, %ne3A_35 : i1
      %sub3A = arith.constant 1 : i32
      %sub3A_36 = arith.subi %div3A, %sub3A : i32
      %select_n3A = arith.select %and3A, %sub3A_36, %div3A : i32
      %jit3A_37 = arith.constant 4 : i32
      %eq3A = arith.constant 0 : i32
      %eq3A_38 = arith.cmpi eq, %jit3A_37, %eq3A : i32
      %jit3A_39 = arith.constant 1 : i32
      %select_n3A_40 = arith.select %eq3A_38, %jit3A_39, %jit3A_37 : i32
      %rem3A_41 = arith.remsi %scan3A_20, %select_n3A_40 : i32
      %ne3A_42 = arith.constant 0 : i32
      %ne3A_43 = arith.cmpi ne, %rem3A_41, %ne3A_42 : i32
      %lt3A = arith.constant 0 : i32
      %lt3A_44 = arith.cmpi slt, %rem3A_41, %lt3A : i32
      %lt3A_45 = arith.constant 0 : i32
      %lt3A_46 = arith.cmpi slt, %select_n3A_40, %lt3A_45 : i32
      %ne3A_47 = arith.xori %lt3A_44, %lt3A_46 : i1
      %and3A_48 = arith.andi %ne3A_47, %ne3A_43 : i1
      %add3A_49 = arith.addi %rem3A_41, %select_n3A_40 : i32
      %select_n3A_50 = arith.select %and3A_48, %add3A_49, %rem3A_41 : i32
      %mul3A_51 = arith.constant 128 : i32
      %mul3A_52 = arith.muli %select_n3A_50, %mul3A_51 : i32
      %mul3A_53 = arith.constant 128 : i32
      %mul3A_54 = arith.muli %scan3A_20, %mul3A_53 : i32
      %dma_wait3A = tpu.memref_slice %arg6[%mul3A_54] : memref<25600xf32, #tpu.memory_space<vmem>> -> memref<128xf32, #tpu.memory_space<vmem>>
      %dma_wait3A_55 = tpu.memref_slice %arg5[%select_n3A, %mul3A_52] : memref<50x512xi32, #tpu.memory_space<vmem>> -> memref<1x128xi32, #tpu.memory_space<vmem>>
      %dma_wait3A_56 = tpu.memref_squeeze %dma_wait3A_55 : memref<1x128xi32, #tpu.memory_space<vmem>> -> memref<128xi32, #tpu.memory_space<vmem>>
      %dma_wait3A_57 = arith.constant 0 : i32
      %dma_wait3A_58 = tpu.memref_slice %arg2[%dma_wait3A_57] : memref<1000000xf32, #tpu.memory_space<hbm>> -> memref<1000000xf32, #tpu.memory_space<hbm>>
      tpu.wait_indirect_dma semaphore(%arg8 : memref<!tpu.dma_semaphore, #tpu.memory_space<semaphore_mem>>) src(%dma_wait3A_58 : memref<1000000xf32, #tpu.memory_space<hbm>>) dst(%dma_wait3A : memref<128xf32, #tpu.memory_space<vmem>>)
    }
    %scan3A_13 = arith.constant 200 : i32
    %scan3A_14 = arith.constant 0 : i32
    %scan3A_15 = arith.constant 0 : i32
    %scan3A_16 = arith.constant 32 : i32
    %scan3A_17 = arith.addi %scan3A_15, %scan3A_16 : i32
    %scan3A_18 = arith.constant 1 : i32
    scf.for %scan3A_20 = %scan3A_15 to %scan3A_17 step %scan3A_18  : i32 {
      %broadcast_in_dim3A = arith.constant 0.000000e+00 : f32
      %broadcast_in_dim3A_21 = vector.broadcast %broadcast_in_dim3A : f32 to vector<16xf32>
      %mul3A_22 = arith.constant 16 : i32
      %mul3A_23 = arith.muli %scan3A_20, %mul3A_22 : i32
      %add3A_24 = arith.constant 0 : i32
      %add3A_25 = arith.addi %add3A_24, %mul3A_23 : i32
      %get3A = arith.index_cast %add3A_25 : i32 to index
      %get3A_26 = tpu.vector_load %arg6[%get3A] {strides = array<i32>} : memref<25600xf32, #tpu.memory_space<vmem>>, vector<16xf32>,
      %get3A_27 = vector.shape_cast %get3A_26 : vector<16xf32> to vector<16xf32>
      %add3A_28 = arith.addf %broadcast_in_dim3A_21, %get3A_27 : vector<16xf32>
      %mul3A_29 = arith.constant 16 : i32
      %mul3A_30 = arith.muli %scan3A_20, %mul3A_29 : i32
      %add3A_31 = arith.constant 512 : i32
      %add3A_32 = arith.addi %add3A_31, %mul3A_30 : i32
      %get3A_33 = arith.index_cast %add3A_32 : i32 to index
      %get3A_34 = tpu.vector_load %arg6[%get3A_33] {strides = array<i32>} : memref<25600xf32, #tpu.memory_space<vmem>>, vector<16xf32>,
      %get3A_35 = vector.shape_cast %get3A_34 : vector<16xf32> to vector<16xf32>
      %add3A_36 = arith.addf %add3A_28, %get3A_35 : vector<16xf32>
      %mul3A_37 = arith.constant 16 : i32
      %mul3A_38 = arith.muli %scan3A_20, %mul3A_37 : i32
      %add3A_39 = arith.constant 1024 : i32
      %add3A_40 = arith.addi %add3A_39, %mul3A_38 : i32
      %get3A_41 = arith.index_cast %add3A_40 : i32 to index
      %get3A_42 = tpu.vector_load %arg6[%get3A_41] {strides = array<i32>} : memref<25600xf32, #tpu.memory_space<vmem>>, vector<16xf32>,
      %get3A_43 = vector.shape_cast %get3A_42 : vector<16xf32> to vector<16xf32>
      %add3A_44 = arith.addf %add3A_36, %get3A_43 : vector<16xf32>
      %mul3A_45 = arith.constant 16 : i32
      %mul3A_46 = arith.muli %scan3A_20, %mul3A_45 : i32
      %add3A_47 = arith.constant 1536 : i32
      %add3A_48 = arith.addi %add3A_47, %mul3A_46 : i32
      %get3A_49 = arith.index_cast %add3A_48 : i32 to index
      %get3A_50 = tpu.vector_load %arg6[%get3A_49] {strides = array<i32>} : memref<25600xf32, #tpu.memory_space<vmem>>, vector<16xf32>,
      %get3A_51 = vector.shape_cast %get3A_50 : vector<16xf32> to vector<16xf32>
      %add3A_52 = arith.addf %add3A_44, %get3A_51 : vector<16xf32>
      %mul3A_53 = arith.constant 16 : i32
      %mul3A_54 = arith.muli %scan3A_20, %mul3A_53 : i32
      %add3A_55 = arith.constant 2048 : i32
      %add3A_56 = arith.addi %add3A_55, %mul3A_54 : i32
      %get3A_57 = arith.index_cast %add3A_56 : i32 to index
      %get3A_58 = tpu.vector_load %arg6[%get3A_57] {strides = array<i32>} : memref<25600xf32, #tpu.memory_space<vmem>>, vector<16xf32>,
      %get3A_59 = vector.shape_cast %get3A_58 : vector<16xf32> to vector<16xf32>
      %add3A_60 = arith.addf %add3A_52, %get3A_59 : vector<16xf32>
      %mul3A_61 = arith.constant 16 : i32
      %mul3A_62 = arith.muli %scan3A_20, %mul3A_61 : i32
      %add3A_63 = arith.constant 2560 : i32
      %add3A_64 = arith.addi %add3A_63, %mul3A_62 : i32
      %get3A_65 = arith.index_cast %add3A_64 : i32 to index
      %get3A_66 = tpu.vector_load %arg6[%get3A_65] {strides = array<i32>} : memref<25600xf32, #tpu.memory_space<vmem>>, vector<16xf32>,
      %get3A_67 = vector.shape_cast %get3A_66 : vector<16xf32> to vector<16xf32>
      %add3A_68 = arith.addf %add3A_60, %get3A_67 : vector<16xf32>
      %mul3A_69 = arith.constant 16 : i32
      %mul3A_70 = arith.muli %scan3A_20, %mul3A_69 : i32
      %add3A_71 = arith.constant 3072 : i32
      %add3A_72 = arith.addi %add3A_71, %mul3A_70 : i32
      %get3A_73 = arith.index_cast %add3A_72 : i32 to index
      %get3A_74 = tpu.vector_load %arg6[%get3A_73] {strides = array<i32>} : memref<25600xf32, #tpu.memory_space<vmem>>, vector<16xf32>,
      %get3A_75 = vector.shape_cast %get3A_74 : vector<16xf32> to vector<16xf32>
      %add3A_76 = arith.addf %add3A_68, %get3A_75 : vector<16xf32>
      %mul3A_77 = arith.constant 16 : i32
      %mul3A_78 = arith.muli %scan3A_20, %mul3A_77 : i32
      %add3A_79 = arith.constant 3584 : i32
      %add3A_80 = arith.addi %add3A_79, %mul3A_78 : i32
      %get3A_81 = arith.index_cast %add3A_80 : i32 to index
      %get3A_82 = tpu.vector_load %arg6[%get3A_81] {strides = array<i32>} : memref<25600xf32, #tpu.memory_space<vmem>>, vector<16xf32>,
      %get3A_83 = vector.shape_cast %get3A_82 : vector<16xf32> to vector<16xf32>
      %add3A_84 = arith.addf %add3A_76, %get3A_83 : vector<16xf32>
      %mul3A_85 = arith.constant 16 : i32
      %mul3A_86 = arith.muli %scan3A_20, %mul3A_85 : i32
      %add3A_87 = arith.constant 4096 : i32
      %add3A_88 = arith.addi %add3A_87, %mul3A_86 : i32
      %get3A_89 = arith.index_cast %add3A_88 : i32 to index
      %get3A_90 = tpu.vector_load %arg6[%get3A_89] {strides = array<i32>} : memref<25600xf32, #tpu.memory_space<vmem>>, vector<16xf32>,
      %get3A_91 = vector.shape_cast %get3A_90 : vector<16xf32> to vector<16xf32>
      %add3A_92 = arith.addf %add3A_84, %get3A_91 : vector<16xf32>
      %mul3A_93 = arith.constant 16 : i32
      %mul3A_94 = arith.muli %scan3A_20, %mul3A_93 : i32
      %add3A_95 = arith.constant 4608 : i32
      %add3A_96 = arith.addi %add3A_95, %mul3A_94 : i32
      %get3A_97 = arith.index_cast %add3A_96 : i32 to index
      %get3A_98 = tpu.vector_load %arg6[%get3A_97] {strides = array<i32>} : memref<25600xf32, #tpu.memory_space<vmem>>, vector<16xf32>,
      %get3A_99 = vector.shape_cast %get3A_98 : vector<16xf32> to vector<16xf32>
      %add3A_100 = arith.addf %add3A_92, %get3A_99 : vector<16xf32>
      %mul3A_101 = arith.constant 16 : i32
      %mul3A_102 = arith.muli %scan3A_20, %mul3A_101 : i32
      %add3A_103 = arith.constant 5120 : i32
      %add3A_104 = arith.addi %add3A_103, %mul3A_102 : i32
      %get3A_105 = arith.index_cast %add3A_104 : i32 to index
      %get3A_106 = tpu.vector_load %arg6[%get3A_105] {strides = array<i32>} : memref<25600xf32, #tpu.memory_space<vmem>>, vector<16xf32>,
      %get3A_107 = vector.shape_cast %get3A_106 : vector<16xf32> to vector<16xf32>
      %add3A_108 = arith.addf %add3A_100, %get3A_107 : vector<16xf32>
      %mul3A_109 = arith.constant 16 : i32
      %mul3A_110 = arith.muli %scan3A_20, %mul3A_109 : i32
      %add3A_111 = arith.constant 5632 : i32
      %add3A_112 = arith.addi %add3A_111, %mul3A_110 : i32
      %get3A_113 = arith.index_cast %add3A_112 : i32 to index
      %get3A_114 = tpu.vector_load %arg6[%get3A_113] {strides = array<i32>} : memref<25600xf32, #tpu.memory_space<vmem>>, vector<16xf32>,
      %get3A_115 = vector.shape_cast %get3A_114 : vector<16xf32> to vector<16xf32>
      %add3A_116 = arith.addf %add3A_108, %get3A_115 : vector<16xf32>
      %mul3A_117 = arith.constant 16 : i32
      %mul3A_118 = arith.muli %scan3A_20, %mul3A_117 : i32
      %add3A_119 = arith.constant 6144 : i32
      %add3A_120 = arith.addi %add3A_119, %mul3A_118 : i32
      %get3A_121 = arith.index_cast %add3A_120 : i32 to index
      %get3A_122 = tpu.vector_load %arg6[%get3A_121] {strides = array<i32>} : memref<25600xf32, #tpu.memory_space<vmem>>, vector<16xf32>,
      %get3A_123 = vector.shape_cast %get3A_122 : vector<16xf32> to vector<16xf32>
      %add3A_124 = arith.addf %add3A_116, %get3A_123 : vector<16xf32>
      %mul3A_125 = arith.constant 16 : i32
      %mul3A_126 = arith.muli %scan3A_20, %mul3A_125 : i32
      %add3A_127 = arith.constant 6656 : i32
      %add3A_128 = arith.addi %add3A_127, %mul3A_126 : i32
      %get3A_129 = arith.index_cast %add3A_128 : i32 to index
      %get3A_130 = tpu.vector_load %arg6[%get3A_129] {strides = array<i32>} : memref<25600xf32, #tpu.memory_space<vmem>>, vector<16xf32>,
      %get3A_131 = vector.shape_cast %get3A_130 : vector<16xf32> to vector<16xf32>
      %add3A_132 = arith.addf %add3A_124, %get3A_131 : vector<16xf32>
      %mul3A_133 = arith.constant 16 : i32
      %mul3A_134 = arith.muli %scan3A_20, %mul3A_133 : i32
      %add3A_135 = arith.constant 7168 : i32
      %add3A_136 = arith.addi %add3A_135, %mul3A_134 : i32
      %get3A_137 = arith.index_cast %add3A_136 : i32 to index
      %get3A_138 = tpu.vector_load %arg6[%get3A_137] {strides = array<i32>} : memref<25600xf32, #tpu.memory_space<vmem>>, vector<16xf32>,
      %get3A_139 = vector.shape_cast %get3A_138 : vector<16xf32> to vector<16xf32>
      %add3A_140 = arith.addf %add3A_132, %get3A_139 : vector<16xf32>
      %mul3A_141 = arith.constant 16 : i32
      %mul3A_142 = arith.muli %scan3A_20, %mul3A_141 : i32
      %add3A_143 = arith.constant 7680 : i32
      %add3A_144 = arith.addi %add3A_143, %mul3A_142 : i32
      %get3A_145 = arith.index_cast %add3A_144 : i32 to index
      %get3A_146 = tpu.vector_load %arg6[%get3A_145] {strides = array<i32>} : memref<25600xf32, #tpu.memory_space<vmem>>, vector<16xf32>,
      %get3A_147 = vector.shape_cast %get3A_146 : vector<16xf32> to vector<16xf32>
      %add3A_148 = arith.addf %add3A_140, %get3A_147 : vector<16xf32>
      %mul3A_149 = arith.constant 16 : i32
      %mul3A_150 = arith.muli %scan3A_20, %mul3A_149 : i32
      %add3A_151 = arith.constant 8192 : i32
      %add3A_152 = arith.addi %add3A_151, %mul3A_150 : i32
      %get3A_153 = arith.index_cast %add3A_152 : i32 to index
      %get3A_154 = tpu.vector_load %arg6[%get3A_153] {strides = array<i32>} : memref<25600xf32, #tpu.memory_space<vmem>>, vector<16xf32>,
      %get3A_155 = vector.shape_cast %get3A_154 : vector<16xf32> to vector<16xf32>
      %add3A_156 = arith.addf %add3A_148, %get3A_155 : vector<16xf32>
      %mul3A_157 = arith.constant 16 : i32
      %mul3A_158 = arith.muli %scan3A_20, %mul3A_157 : i32
      %add3A_159 = arith.constant 8704 : i32
      %add3A_160 = arith.addi %add3A_159, %mul3A_158 : i32
      %get3A_161 = arith.index_cast %add3A_160 : i32 to index
      %get3A_162 = tpu.vector_load %arg6[%get3A_161] {strides = array<i32>} : memref<25600xf32, #tpu.memory_space<vmem>>, vector<16xf32>,
      %get3A_163 = vector.shape_cast %get3A_162 : vector<16xf32> to vector<16xf32>
      %add3A_164 = arith.addf %add3A_156, %get3A_163 : vector<16xf32>
      %mul3A_165 = arith.constant 16 : i32
      %mul3A_166 = arith.muli %scan3A_20, %mul3A_165 : i32
      %add3A_167 = arith.constant 9216 : i32
      %add3A_168 = arith.addi %add3A_167, %mul3A_166 : i32
      %get3A_169 = arith.index_cast %add3A_168 : i32 to index
      %get3A_170 = tpu.vector_load %arg6[%get3A_169] {strides = array<i32>} : memref<25600xf32, #tpu.memory_space<vmem>>, vector<16xf32>,
      %get3A_171 = vector.shape_cast %get3A_170 : vector<16xf32> to vector<16xf32>
      %add3A_172 = arith.addf %add3A_164, %get3A_171 : vector<16xf32>
      %mul3A_173 = arith.constant 16 : i32
      %mul3A_174 = arith.muli %scan3A_20, %mul3A_173 : i32
      %add3A_175 = arith.constant 9728 : i32
      %add3A_176 = arith.addi %add3A_175, %mul3A_174 : i32
      %get3A_177 = arith.index_cast %add3A_176 : i32 to index
      %get3A_178 = tpu.vector_load %arg6[%get3A_177] {strides = array<i32>} : memref<25600xf32, #tpu.memory_space<vmem>>, vector<16xf32>,
      %get3A_179 = vector.shape_cast %get3A_178 : vector<16xf32> to vector<16xf32>
      %add3A_180 = arith.addf %add3A_172, %get3A_179 : vector<16xf32>
      %mul3A_181 = arith.constant 16 : i32
      %mul3A_182 = arith.muli %scan3A_20, %mul3A_181 : i32
      %add3A_183 = arith.constant 10240 : i32
      %add3A_184 = arith.addi %add3A_183, %mul3A_182 : i32
      %get3A_185 = arith.index_cast %add3A_184 : i32 to index
      %get3A_186 = tpu.vector_load %arg6[%get3A_185] {strides = array<i32>} : memref<25600xf32, #tpu.memory_space<vmem>>, vector<16xf32>,
      %get3A_187 = vector.shape_cast %get3A_186 : vector<16xf32> to vector<16xf32>
      %add3A_188 = arith.addf %add3A_180, %get3A_187 : vector<16xf32>
      %mul3A_189 = arith.constant 16 : i32
      %mul3A_190 = arith.muli %scan3A_20, %mul3A_189 : i32
      %add3A_191 = arith.constant 10752 : i32
      %add3A_192 = arith.addi %add3A_191, %mul3A_190 : i32
      %get3A_193 = arith.index_cast %add3A_192 : i32 to index
      %get3A_194 = tpu.vector_load %arg6[%get3A_193] {strides = array<i32>} : memref<25600xf32, #tpu.memory_space<vmem>>, vector<16xf32>,
      %get3A_195 = vector.shape_cast %get3A_194 : vector<16xf32> to vector<16xf32>
      %add3A_196 = arith.addf %add3A_188, %get3A_195 : vector<16xf32>
      %mul3A_197 = arith.constant 16 : i32
      %mul3A_198 = arith.muli %scan3A_20, %mul3A_197 : i32
      %add3A_199 = arith.constant 11264 : i32
      %add3A_200 = arith.addi %add3A_199, %mul3A_198 : i32
      %get3A_201 = arith.index_cast %add3A_200 : i32 to index
      %get3A_202 = tpu.vector_load %arg6[%get3A_201] {strides = array<i32>} : memref<25600xf32, #tpu.memory_space<vmem>>, vector<16xf32>,
      %get3A_203 = vector.shape_cast %get3A_202 : vector<16xf32> to vector<16xf32>
      %add3A_204 = arith.addf %add3A_196, %get3A_203 : vector<16xf32>
      %mul3A_205 = arith.constant 16 : i32
      %mul3A_206 = arith.muli %scan3A_20, %mul3A_205 : i32
      %add3A_207 = arith.constant 11776 : i32
      %add3A_208 = arith.addi %add3A_207, %mul3A_206 : i32
      %get3A_209 = arith.index_cast %add3A_208 : i32 to index
      %get3A_210 = tpu.vector_load %arg6[%get3A_209] {strides = array<i32>} : memref<25600xf32, #tpu.memory_space<vmem>>, vector<16xf32>,
      %get3A_211 = vector.shape_cast %get3A_210 : vector<16xf32> to vector<16xf32>
      %add3A_212 = arith.addf %add3A_204, %get3A_211 : vector<16xf32>
      %mul3A_213 = arith.constant 16 : i32
      %mul3A_214 = arith.muli %scan3A_20, %mul3A_213 : i32
      %add3A_215 = arith.constant 12288 : i32
      %add3A_216 = arith.addi %add3A_215, %mul3A_214 : i32
      %get3A_217 = arith.index_cast %add3A_216 : i32 to index
      %get3A_218 = tpu.vector_load %arg6[%get3A_217] {strides = array<i32>} : memref<25600xf32, #tpu.memory_space<vmem>>, vector<16xf32>,
      %get3A_219 = vector.shape_cast %get3A_218 : vector<16xf32> to vector<16xf32>
      %add3A_220 = arith.addf %add3A_212, %get3A_219 : vector<16xf32>
      %mul3A_221 = arith.constant 16 : i32
      %mul3A_222 = arith.muli %scan3A_20, %mul3A_221 : i32
      %add3A_223 = arith.constant 12800 : i32
      %add3A_224 = arith.addi %add3A_223, %mul3A_222 : i32
      %get3A_225 = arith.index_cast %add3A_224 : i32 to index
      %get3A_226 = tpu.vector_load %arg6[%get3A_225] {strides = array<i32>} : memref<25600xf32, #tpu.memory_space<vmem>>, vector<16xf32>,
      %get3A_227 = vector.shape_cast %get3A_226 : vector<16xf32> to vector<16xf32>
      %add3A_228 = arith.addf %add3A_220, %get3A_227 : vector<16xf32>
      %mul3A_229 = arith.constant 16 : i32
      %mul3A_230 = arith.muli %scan3A_20, %mul3A_229 : i32
      %add3A_231 = arith.constant 13312 : i32
      %add3A_232 = arith.addi %add3A_231, %mul3A_230 : i32
      %get3A_233 = arith.index_cast %add3A_232 : i32 to index
      %get3A_234 = tpu.vector_load %arg6[%get3A_233] {strides = array<i32>} : memref<25600xf32, #tpu.memory_space<vmem>>, vector<16xf32>,
      %get3A_235 = vector.shape_cast %get3A_234 : vector<16xf32> to vector<16xf32>
      %add3A_236 = arith.addf %add3A_228, %get3A_235 : vector<16xf32>
      %mul3A_237 = arith.constant 16 : i32
      %mul3A_238 = arith.muli %scan3A_20, %mul3A_237 : i32
      %add3A_239 = arith.constant 13824 : i32
      %add3A_240 = arith.addi %add3A_239, %mul3A_238 : i32
      %get3A_241 = arith.index_cast %add3A_240 : i32 to index
      %get3A_242 = tpu.vector_load %arg6[%get3A_241] {strides = array<i32>} : memref<25600xf32, #tpu.memory_space<vmem>>, vector<16xf32>,
      %get3A_243 = vector.shape_cast %get3A_242 : vector<16xf32> to vector<16xf32>
      %add3A_244 = arith.addf %add3A_236, %get3A_243 : vector<16xf32>
      %mul3A_245 = arith.constant 16 : i32
      %mul3A_246 = arith.muli %scan3A_20, %mul3A_245 : i32
      %add3A_247 = arith.constant 14336 : i32
      %add3A_248 = arith.addi %add3A_247, %mul3A_246 : i32
      %get3A_249 = arith.index_cast %add3A_248 : i32 to index
      %get3A_250 = tpu.vector_load %arg6[%get3A_249] {strides = array<i32>} : memref<25600xf32, #tpu.memory_space<vmem>>, vector<16xf32>,
      %get3A_251 = vector.shape_cast %get3A_250 : vector<16xf32> to vector<16xf32>
      %add3A_252 = arith.addf %add3A_244, %get3A_251 : vector<16xf32>
      %mul3A_253 = arith.constant 16 : i32
      %mul3A_254 = arith.muli %scan3A_20, %mul3A_253 : i32
      %add3A_255 = arith.constant 14848 : i32
      %add3A_256 = arith.addi %add3A_255, %mul3A_254 : i32
      %get3A_257 = arith.index_cast %add3A_256 : i32 to index
      %get3A_258 = tpu.vector_load %arg6[%get3A_257] {strides = array<i32>} : memref<25600xf32, #tpu.memory_space<vmem>>, vector<16xf32>,
      %get3A_259 = vector.shape_cast %get3A_258 : vector<16xf32> to vector<16xf32>
      %add3A_260 = arith.addf %add3A_252, %get3A_259 : vector<16xf32>
      %mul3A_261 = arith.constant 16 : i32
      %mul3A_262 = arith.muli %scan3A_20, %mul3A_261 : i32
      %add3A_263 = arith.constant 15360 : i32
      %add3A_264 = arith.addi %add3A_263, %mul3A_262 : i32
      %get3A_265 = arith.index_cast %add3A_264 : i32 to index
      %get3A_266 = tpu.vector_load %arg6[%get3A_265] {strides = array<i32>} : memref<25600xf32, #tpu.memory_space<vmem>>, vector<16xf32>,
      %get3A_267 = vector.shape_cast %get3A_266 : vector<16xf32> to vector<16xf32>
      %add3A_268 = arith.addf %add3A_260, %get3A_267 : vector<16xf32>
      %mul3A_269 = arith.constant 16 : i32
      %mul3A_270 = arith.muli %scan3A_20, %mul3A_269 : i32
      %add3A_271 = arith.constant 15872 : i32
      %add3A_272 = arith.addi %add3A_271, %mul3A_270 : i32
      %get3A_273 = arith.index_cast %add3A_272 : i32 to index
      %get3A_274 = tpu.vector_load %arg6[%get3A_273] {strides = array<i32>} : memref<25600xf32, #tpu.memory_space<vmem>>, vector<16xf32>,
      %get3A_275 = vector.shape_cast %get3A_274 : vector<16xf32> to vector<16xf32>
      %add3A_276 = arith.addf %add3A_268, %get3A_275 : vector<16xf32>
      %mul3A_277 = arith.constant 16 : i32
      %mul3A_278 = arith.muli %scan3A_20, %mul3A_277 : i32
      %add3A_279 = arith.constant 16384 : i32
      %add3A_280 = arith.addi %add3A_279, %mul3A_278 : i32
      %get3A_281 = arith.index_cast %add3A_280 : i32 to index
      %get3A_282 = tpu.vector_load %arg6[%get3A_281] {strides = array<i32>} : memref<25600xf32, #tpu.memory_space<vmem>>, vector<16xf32>,
      %get3A_283 = vector.shape_cast %get3A_282 : vector<16xf32> to vector<16xf32>
      %add3A_284 = arith.addf %add3A_276, %get3A_283 : vector<16xf32>
      %mul3A_285 = arith.constant 16 : i32
      %mul3A_286 = arith.muli %scan3A_20, %mul3A_285 : i32
      %add3A_287 = arith.constant 16896 : i32
      %add3A_288 = arith.addi %add3A_287, %mul3A_286 : i32
      %get3A_289 = arith.index_cast %add3A_288 : i32 to index
      %get3A_290 = tpu.vector_load %arg6[%get3A_289] {strides = array<i32>} : memref<25600xf32, #tpu.memory_space<vmem>>, vector<16xf32>,
      %get3A_291 = vector.shape_cast %get3A_290 : vector<16xf32> to vector<16xf32>
      %add3A_292 = arith.addf %add3A_284, %get3A_291 : vector<16xf32>
      %mul3A_293 = arith.constant 16 : i32
      %mul3A_294 = arith.muli %scan3A_20, %mul3A_293 : i32
      %add3A_295 = arith.constant 17408 : i32
      %add3A_296 = arith.addi %add3A_295, %mul3A_294 : i32
      %get3A_297 = arith.index_cast %add3A_296 : i32 to index
      %get3A_298 = tpu.vector_load %arg6[%get3A_297] {strides = array<i32>} : memref<25600xf32, #tpu.memory_space<vmem>>, vector<16xf32>,
      %get3A_299 = vector.shape_cast %get3A_298 : vector<16xf32> to vector<16xf32>
      %add3A_300 = arith.addf %add3A_292, %get3A_299 : vector<16xf32>
      %mul3A_301 = arith.constant 16 : i32
      %mul3A_302 = arith.muli %scan3A_20, %mul3A_301 : i32
      %add3A_303 = arith.constant 17920 : i32
      %add3A_304 = arith.addi %add3A_303, %mul3A_302 : i32
      %get3A_305 = arith.index_cast %add3A_304 : i32 to index
      %get3A_306 = tpu.vector_load %arg6[%get3A_305] {strides = array<i32>} : memref<25600xf32, #tpu.memory_space<vmem>>, vector<16xf32>,
      %get3A_307 = vector.shape_cast %get3A_306 : vector<16xf32> to vector<16xf32>
      %add3A_308 = arith.addf %add3A_300, %get3A_307 : vector<16xf32>
      %mul3A_309 = arith.constant 16 : i32
      %mul3A_310 = arith.muli %scan3A_20, %mul3A_309 : i32
      %add3A_311 = arith.constant 18432 : i32
      %add3A_312 = arith.addi %add3A_311, %mul3A_310 : i32
      %get3A_313 = arith.index_cast %add3A_312 : i32 to index
      %get3A_314 = tpu.vector_load %arg6[%get3A_313] {strides = array<i32>} : memref<25600xf32, #tpu.memory_space<vmem>>, vector<16xf32>,
      %get3A_315 = vector.shape_cast %get3A_314 : vector<16xf32> to vector<16xf32>
      %add3A_316 = arith.addf %add3A_308, %get3A_315 : vector<16xf32>
      %mul3A_317 = arith.constant 16 : i32
      %mul3A_318 = arith.muli %scan3A_20, %mul3A_317 : i32
      %add3A_319 = arith.constant 18944 : i32
      %add3A_320 = arith.addi %add3A_319, %mul3A_318 : i32
      %get3A_321 = arith.index_cast %add3A_320 : i32 to index
      %get3A_322 = tpu.vector_load %arg6[%get3A_321] {strides = array<i32>} : memref<25600xf32, #tpu.memory_space<vmem>>, vector<16xf32>,
      %get3A_323 = vector.shape_cast %get3A_322 : vector<16xf32> to vector<16xf32>
      %add3A_324 = arith.addf %add3A_316, %get3A_323 : vector<16xf32>
      %mul3A_325 = arith.constant 16 : i32
      %mul3A_326 = arith.muli %scan3A_20, %mul3A_325 : i32
      %add3A_327 = arith.constant 19456 : i32
      %add3A_328 = arith.addi %add3A_327, %mul3A_326 : i32
      %get3A_329 = arith.index_cast %add3A_328 : i32 to index
      %get3A_330 = tpu.vector_load %arg6[%get3A_329] {strides = array<i32>} : memref<25600xf32, #tpu.memory_space<vmem>>, vector<16xf32>,
      %get3A_331 = vector.shape_cast %get3A_330 : vector<16xf32> to vector<16xf32>
      %add3A_332 = arith.addf %add3A_324, %get3A_331 : vector<16xf32>
      %mul3A_333 = arith.constant 16 : i32
      %mul3A_334 = arith.muli %scan3A_20, %mul3A_333 : i32
      %add3A_335 = arith.constant 19968 : i32
      %add3A_336 = arith.addi %add3A_335, %mul3A_334 : i32
      %get3A_337 = arith.index_cast %add3A_336 : i32 to index
      %get3A_338 = tpu.vector_load %arg6[%get3A_337] {strides = array<i32>} : memref<25600xf32, #tpu.memory_space<vmem>>, vector<16xf32>,
      %get3A_339 = vector.shape_cast %get3A_338 : vector<16xf32> to vector<16xf32>
      %add3A_340 = arith.addf %add3A_332, %get3A_339 : vector<16xf32>
      %mul3A_341 = arith.constant 16 : i32
      %mul3A_342 = arith.muli %scan3A_20, %mul3A_341 : i32
      %add3A_343 = arith.constant 20480 : i32
      %add3A_344 = arith.addi %add3A_343, %mul3A_342 : i32
      %get3A_345 = arith.index_cast %add3A_344 : i32 to index
      %get3A_346 = tpu.vector_load %arg6[%get3A_345] {strides = array<i32>} : memref<25600xf32, #tpu.memory_space<vmem>>, vector<16xf32>,
      %get3A_347 = vector.shape_cast %get3A_346 : vector<16xf32> to vector<16xf32>
      %add3A_348 = arith.addf %add3A_340, %get3A_347 : vector<16xf32>
      %mul3A_349 = arith.constant 16 : i32
      %mul3A_350 = arith.muli %scan3A_20, %mul3A_349 : i32
      %add3A_351 = arith.constant 20992 : i32
      %add3A_352 = arith.addi %add3A_351, %mul3A_350 : i32
      %get3A_353 = arith.index_cast %add3A_352 : i32 to index
      %get3A_354 = tpu.vector_load %arg6[%get3A_353] {strides = array<i32>} : memref<25600xf32, #tpu.memory_space<vmem>>, vector<16xf32>,
      %get3A_355 = vector.shape_cast %get3A_354 : vector<16xf32> to vector<16xf32>
      %add3A_356 = arith.addf %add3A_348, %get3A_355 : vector<16xf32>
      %mul3A_357 = arith.constant 16 : i32
      %mul3A_358 = arith.muli %scan3A_20, %mul3A_357 : i32
      %add3A_359 = arith.constant 21504 : i32
      %add3A_360 = arith.addi %add3A_359, %mul3A_358 : i32
      %get3A_361 = arith.index_cast %add3A_360 : i32 to index
      %get3A_362 = tpu.vector_load %arg6[%get3A_361] {strides = array<i32>} : memref<25600xf32, #tpu.memory_space<vmem>>, vector<16xf32>,
      %get3A_363 = vector.shape_cast %get3A_362 : vector<16xf32> to vector<16xf32>
      %add3A_364 = arith.addf %add3A_356, %get3A_363 : vector<16xf32>
      %mul3A_365 = arith.constant 16 : i32
      %mul3A_366 = arith.muli %scan3A_20, %mul3A_365 : i32
      %add3A_367 = arith.constant 22016 : i32
      %add3A_368 = arith.addi %add3A_367, %mul3A_366 : i32
      %get3A_369 = arith.index_cast %add3A_368 : i32 to index
      %get3A_370 = tpu.vector_load %arg6[%get3A_369] {strides = array<i32>} : memref<25600xf32, #tpu.memory_space<vmem>>, vector<16xf32>,
      %get3A_371 = vector.shape_cast %get3A_370 : vector<16xf32> to vector<16xf32>
      %add3A_372 = arith.addf %add3A_364, %get3A_371 : vector<16xf32>
      %mul3A_373 = arith.constant 16 : i32
      %mul3A_374 = arith.muli %scan3A_20, %mul3A_373 : i32
      %add3A_375 = arith.constant 22528 : i32
      %add3A_376 = arith.addi %add3A_375, %mul3A_374 : i32
      %get3A_377 = arith.index_cast %add3A_376 : i32 to index
      %get3A_378 = tpu.vector_load %arg6[%get3A_377] {strides = array<i32>} : memref<25600xf32, #tpu.memory_space<vmem>>, vector<16xf32>,
      %get3A_379 = vector.shape_cast %get3A_378 : vector<16xf32> to vector<16xf32>
      %add3A_380 = arith.addf %add3A_372, %get3A_379 : vector<16xf32>
      %mul3A_381 = arith.constant 16 : i32
      %mul3A_382 = arith.muli %scan3A_20, %mul3A_381 : i32
      %add3A_383 = arith.constant 23040 : i32
      %add3A_384 = arith.addi %add3A_383, %mul3A_382 : i32
      %get3A_385 = arith.index_cast %add3A_384 : i32 to index
      %get3A_386 = tpu.vector_load %arg6[%get3A_385] {strides = array<i32>} : memref<25600xf32, #tpu.memory_space<vmem>>, vector<16xf32>,
      %get3A_387 = vector.shape_cast %get3A_386 : vector<16xf32> to vector<16xf32>
      %add3A_388 = arith.addf %add3A_380, %get3A_387 : vector<16xf32>
      %mul3A_389 = arith.constant 16 : i32
      %mul3A_390 = arith.muli %scan3A_20, %mul3A_389 : i32
      %add3A_391 = arith.constant 23552 : i32
      %add3A_392 = arith.addi %add3A_391, %mul3A_390 : i32
      %get3A_393 = arith.index_cast %add3A_392 : i32 to index
      %get3A_394 = tpu.vector_load %arg6[%get3A_393] {strides = array<i32>} : memref<25600xf32, #tpu.memory_space<vmem>>, vector<16xf32>,
      %get3A_395 = vector.shape_cast %get3A_394 : vector<16xf32> to vector<16xf32>
      %add3A_396 = arith.addf %add3A_388, %get3A_395 : vector<16xf32>
      %mul3A_397 = arith.constant 16 : i32
      %mul3A_398 = arith.muli %scan3A_20, %mul3A_397 : i32
      %add3A_399 = arith.constant 24064 : i32
      %add3A_400 = arith.addi %add3A_399, %mul3A_398 : i32
      %get3A_401 = arith.index_cast %add3A_400 : i32 to index
      %get3A_402 = tpu.vector_load %arg6[%get3A_401] {strides = array<i32>} : memref<25600xf32, #tpu.memory_space<vmem>>, vector<16xf32>,
      %get3A_403 = vector.shape_cast %get3A_402 : vector<16xf32> to vector<16xf32>
      %add3A_404 = arith.addf %add3A_396, %get3A_403 : vector<16xf32>
      %mul3A_405 = arith.constant 16 : i32
      %mul3A_406 = arith.muli %scan3A_20, %mul3A_405 : i32
      %add3A_407 = arith.constant 24576 : i32
      %add3A_408 = arith.addi %add3A_407, %mul3A_406 : i32
      %get3A_409 = arith.index_cast %add3A_408 : i32 to index
      %get3A_410 = tpu.vector_load %arg6[%get3A_409] {strides = array<i32>} : memref<25600xf32, #tpu.memory_space<vmem>>, vector<16xf32>,
      %get3A_411 = vector.shape_cast %get3A_410 : vector<16xf32> to vector<16xf32>
      %add3A_412 = arith.addf %add3A_404, %get3A_411 : vector<16xf32>
      %mul3A_413 = arith.constant 16 : i32
      %mul3A_414 = arith.muli %scan3A_20, %mul3A_413 : i32
      %add3A_415 = arith.constant 25088 : i32
      %add3A_416 = arith.addi %add3A_415, %mul3A_414 : i32
      %get3A_417 = arith.index_cast %add3A_416 : i32 to index
      %get3A_418 = tpu.vector_load %arg6[%get3A_417] {strides = array<i32>} : memref<25600xf32, #tpu.memory_space<vmem>>, vector<16xf32>,
      %get3A_419 = vector.shape_cast %get3A_418 : vector<16xf32> to vector<16xf32>
      %add3A_420 = arith.addf %add3A_412, %get3A_419 : vector<16xf32>
      %mul3A_421 = arith.constant 16 : i32
      %mul3A_422 = arith.muli %scan3A_20, %mul3A_421 : i32
      %swap3A = arith.index_cast %mul3A_422 : i32 to index
      %swap3A_423 = tpu.vector_load %arg7[%swap3A] {strides = array<i32>} : memref<512xf32, #tpu.memory_space<vmem>>, vector<16xf32>,
      %swap3A_424 = vector.shape_cast %swap3A_423 : vector<16xf32> to vector<16xf32>
      %swap3A_425 = vector.shape_cast %add3A_420 : vector<16xf32> to vector<16xf32>
      tpu.vector_store %arg7[%swap3A], %swap3A_425 {strides = array<i32>} : memref<512xf32, #tpu.memory_space<vmem>>, vector<16xf32>,
    }
    %scan3A_19 = arith.constant 32 : i32
    "tpu.region"() ({
      %run_scoped3A = tpu.sem_alloc : memref<!tpu.dma_semaphore, #tpu.memory_space<semaphore_mem>>
      %dma_start3A = tpu.memref_slice %arg4[%mul3A_2] : memref<16384xf32, #tpu.memory_space<hbm>> -> memref<512xf32, #tpu.memory_space<hbm>>
      %dma_start3A_20 = tpu.memref_slice %arg4[%mul3A_2] : memref<16384xf32, #tpu.memory_space<hbm>> -> memref<512xf32, #tpu.memory_space<hbm>>
      tpu.enqueue_dma source(%arg7 : memref<512xf32, #tpu.memory_space<vmem>>) target(%dma_start3A_20 : memref<512xf32, #tpu.memory_space<hbm>>) target_semaphore(%run_scoped3A : memref<!tpu.dma_semaphore, #tpu.memory_space<semaphore_mem>>)
      %dma_wait3A = tpu.memref_slice %arg4[%mul3A_2] : memref<16384xf32, #tpu.memory_space<hbm>> -> memref<512xf32, #tpu.memory_space<hbm>>
      %dma_wait3A_21 = tpu.memref_slice %arg4[%mul3A_2] : memref<16384xf32, #tpu.memory_space<hbm>> -> memref<512xf32, #tpu.memory_space<hbm>>
      tpu.wait_dma2 semaphore(%run_scoped3A : memref<!tpu.dma_semaphore, #tpu.memory_space<semaphore_mem>>) src(%arg7 : memref<512xf32, #tpu.memory_space<vmem>>) dst(%dma_wait3A_21 : memref<512xf32, #tpu.memory_space<hbm>>)
      tpu.yield
    }) : () -> ()
    return
  }
}

module attributes {stable_mosaic.version = 14 : i64} {
  func.func @_matvec_body(%arg0: i32, %arg1: memref<64x32768xf32, #tpu.memory_space<vmem>>, %arg2: memref<64x1xf32, #tpu.memory_space<vmem>>, %arg3: memref<1xf32, #tpu.memory_space<vmem>>, %arg4: memref<32768xf32, #tpu.memory_space<vmem>>) attributes {dimension_semantics = [#tpu.dimension_semantics<arbitrary>], iteration_bounds = array<i64: 31>, scalar_prefetch = 0 : i64, scratch_operands = 0 : i64, tpu.core_type = #tpu.core_type<tc>, window_params = [{transform_indices = @transform_0, window_bounds = array<i64: 64, 32768>}, {pipeline_mode = #tpu.pipeline_mode<synchronous>, transform_indices = @transform_1, window_bounds = array<i64: 64, 1>}, {pipeline_mode = #tpu.pipeline_mode<synchronous>, transform_indices = @transform_2, window_bounds = array<i64: 1>}, {transform_indices = @transform_3, window_bounds = array<i64: 32768>}]} {
    %get3A = arith.constant 0 : index
    %get3A_0 = arith.constant 0 : index
    %get3A_1 = vector.load %arg1[%get3A, %get3A_0] : memref<64x32768xf32, #tpu.memory_space<vmem>>, vector<64x32768xf32>
    %get3A_2 = arith.constant 0 : index
    %get3A_3 = arith.constant 0 : index
    %get3A_4 = vector.load %arg2[%get3A_2, %get3A_3] : memref<64x1xf32, #tpu.memory_space<vmem>>, vector<64x1xf32>
    %mul3A = vector.broadcast %get3A_4 : vector<64x1xf32> to vector<64x32768xf32>
    %mul3A_5 = arith.mulf %get3A_1, %mul3A : vector<64x32768xf32>
    %reduce_sum3A = arith.constant dense<0.000000e+00> : vector<32768xf32>
    %reduce_sum3A_6 = vector.multi_reduction <add>, %mul3A_5, %reduce_sum3A [0] : vector<64x32768xf32> to vector<32768xf32>
    %get3A_7 = arith.constant 0 : index
    %get3A_8 = vector.load %arg3[%get3A_7] : memref<1xf32, #tpu.memory_space<vmem>>, vector<1xf32>
    %mul3A_9 = arith.constant 2.000000e-02 : f32
    %mul3A_10 = vector.broadcast %mul3A_9 : f32 to vector<1xf32>
    %mul3A_11 = arith.mulf %get3A_8, %mul3A_10 : vector<1xf32>
    %add3A = vector.broadcast %mul3A_11 : vector<1xf32> to vector<32768xf32>
    %add3A_12 = arith.addf %reduce_sum3A_6, %add3A : vector<32768xf32>
    %swap3A = arith.constant 0 : index
    %swap3A_13 = vector.load %arg4[%swap3A] : memref<32768xf32, #tpu.memory_space<vmem>>, vector<32768xf32>
    tpu.vector_store %arg4[%swap3A], %add3A_12 {strides = array<i32>} : memref<32768xf32, #tpu.memory_space<vmem>>, vector<32768xf32>,
    return
  }
  func.func @transform_0(%arg0: i32) -> (i32, i32) {
    %c0_i32 = arith.constant 0 : i32
    %c0_i32_0 = arith.constant 0 : i32
    return %c0_i32, %arg0 : i32, i32
  }
  func.func @transform_1(%arg0: i32) -> (i32, i32) {
    %c0_i32 = arith.constant 0 : i32
    %c0_i32_0 = arith.constant 0 : i32
    %c0_i32_1 = arith.constant 0 : i32
    return %c0_i32, %c0_i32_0 : i32, i32
  }
  func.func @transform_2(%arg0: i32) -> i32 {
    %c0_i32 = arith.constant 0 : i32
    %c0_i32_0 = arith.constant 0 : i32
    return %c0_i32 : i32
  }
  func.func @transform_3(%arg0: i32) -> i32 {
    %c0_i32 = arith.constant 0 : i32
    return %arg0 : i32
  }
}

</mosaic_0001>

<sc_bundles>
// kernel: kernel.4.cloned.1.call-start
scs
__scs_entry_jumppad:
0x0: {  	(pc) =	sbr.rel $0x88, $3  }
0x1: {  	(tag) =	ssettag $0x0;
	lr =	simm.s32 $0x1  }
0x2: {  	[smem:$0x3F9D] =	sst lr;
	_ =	strace $0xD0000000  }
0x3: {  	_ = 	snop  }
0x4: {  	_ = 	snop  }
0x5: {  	_ = 	snop  }
0x6: {  	_ = 	snop  }
0x7: {  	_ = 	snop  }
__scs_overlays_trampoline_lowered:
0x8: {  	[smem:$0x3FAC] =	sst s0  }
0x9: {  	[smem:$0x3FAD] =	sst s1  }
0xa: {  	[smem:$0x3FAE] =	sst s2  }
0xb: {  	[smem:$0x3FAF] =	sst s3  }
0xc: {  	[smem:$0x3FB0] =	sst s4  }
0xd: {  	[smem:$0x3FB1] =	sst s5  }
0xe: {  	[smem:$0x3FB2] =	sst s6  }
0xf: {  	[smem:$0x3FB3] =	sst s7  }
0x10: {  	[smem:$0x3FB4] =	sst s8  }
0x11: {  	[smem:$0x3FB5] =	sst s9;
	s0 =	simm.s32 @!p0 $0x0  }
0x12: {  	s1 =	sld [smem:$0x3F9B];
	s0 =	simm.s32 @p0 $0x1  }
0x13: {  	[smem:$0x3FB6] =	sst s0;
	s0 =	simm.s32 @!p1 $0x0  }
0x14: {  	s2 =	sld [smem:$0x3F9A];
	s0 =	simm.s32 @p1 $0x1  }
0x15: {  	[smem:$0x3FB7] =	sst s0;
	s0 =	simm.s32 @!p2 $0x0  }
0x16: {  	s3 =	sld [smem:$0x3FDB];
	s0 =	simm.s32 @p2 $0x1  }
0x17: {  	s4 =	simm.s32 $0x1BF5;
	[smem:$0x3FB9] =	sst s0  }
0x18: {  	s0 =	sld [smem:$0x3F9C];
	_ =	swait.ge [sflag:s4], $0x0  }
0x19: {  	s7 =	sld [smem:$0x3F9D]  }
0x1a: {  	s8 =	sadd.s32 $0xFFFFE003, lr  }
0x1b: {  	s9 =	sadd.s32 $0xFFFFFEF7, lr;
	s5 =	simm.s32 $0xFFFFFFFF;
	p2 =	slt.u32 s8, $0xFFFFF086  }
0x1c: {  	p1 =	slt.u32 s9, $0xF7A;
	s5 =	simm.s32 @!p2 $0x0  }
0x1d: {  	s5 =	simm.s32 @p1 $0x1;
	p0 =	seq.s32 s7, s2  }
0x1e: {  	s7 =	smul.u32 @!p0 $0xF7A, s2;
	p2 =	seq.s32 @!p0 s5, $0x0  }
0x1f: {  	s9 =	smul.u32 $0xF7A, s1;
	s8 =	simm.s32 @!p0 $0x1BF5;
	p2 =	por !p2, p0  }
0x20: {  	[sflag:s8] =	ssyncset.s32 @!p0 $0xFFFFF086;
	s6 =	sadd.s32 @!p0 s3, s7;
	s7 =	simm.s32 @!p0 $0x108  }
0x21: {  	s3 =	sadd.s32 s3, s9;
	s6 =	sadd.s32 @!p0 $0x88, s6;
	s7 =	simm.s32 @p2 $0x1082  }
0x22: {  	[simem:s7], [sflag:s8] =	dma.local @!p0 [hbm:s6], $0xF7A  }
0x23: {  	s9 =	sor.u32 $0xD0000000, s2;
	s6 =	simm.s32 $0x108;
	_ =	swait.ge @!p0 [sflag:s8], $0x0  }
0x24: {  	s3 =	sadd.s32 $0x88, s3;
	s6 =	simm.s32 @!p1 $0x1082;
	[sflag:s4] =	ssyncset.s32 $0xFFFFF086  }
0x25: {  	[simem:s6], [sflag:s4] =	dma.local [hbm:s3], $0xF7A  }
0x26: {  	[smem:$0x3F9D] =	sst s1;
	(tag) =	ssettag s2;
	_ =	strace s9  }
0x27: {  	s1 =	sld [smem:$0x3FAD]  }
0x28: {  	s2 =	sld [smem:$0x3FAE]  }
0x29: {  	s4 =	sld [smem:$0x3FB0]  }
0x2a: {  	p0 =	seq.s32 s5, $0x0;
	s5 =	sld [smem:$0x3FB1]  }
0x2b: {  	s6 =	sld [smem:$0x3FB2]  }
0x2c: {  	s7 =	sld [smem:$0x3FB3]  }
0x2d: {  	s3 =	simm.s32 $0x108;
	s8 =	sld [smem:$0x3FB4]  }
0x2e: {  	s3 =	simm.s32 @!p0 $0x1082;
	s9 =	sld [smem:$0x3FB5]  }
0x2f: {  	lr =	sadd.s32 s0, s3;
	s0 =	sld [smem:$0x3FAC]  }
0x30: {  	s3 =	sld [smem:$0x3FAF]  }
0x31: {  	[smem:$0x3FB8] =	sst s10  }
0x32: {  	s10 =	sld [smem:$0x3FB6];
	_ =	sdelay $0x3  }
0x33: {  	p0 =	seq.s32 s10, $0x1;
	s10 =	sld [smem:$0x3FB8];
	_ =	sdelay $0x3  }
0x34: {  	[smem:$0x3FB8] =	sst s10  }
0x35: {  	s10 =	sld [smem:$0x3FB7];
	_ =	sdelay $0x3  }
0x36: {  	p1 =	seq.s32 s10, $0x1;
	s10 =	sld [smem:$0x3FB8];
	_ =	sdelay $0x3  }
0x37: {  	[smem:$0x3FB8] =	sst s10  }
0x38: {  	s10 =	sld [smem:$0x3FB9]  }
0x39: {  	_ = 	snop;
	(pc) =	sbr.ind lr, $3  }
0x3a: {  	_ = 	snop  }
0x3b: {  	_ = 	snop  }
0x3c: {  	p2 =	seq.s32 s10, $0x1;
	s10 =	sld [smem:$0x3FB8]  }
0x3d: {  	_ =	shalt  }
0x3e: {  	_ =	shalt  }
0x3f: {  	_ =	shalt  }
0x40: {  	_ =	shalt  }
0x41: {  	_ =	shalt  }
0x42: {  	_ =	shalt  }
0x43: {  	_ =	shalt  }
0x44: {  	_ =	shalt  }
0x45: {  	_ =	shalt  }
0x46: {  	_ =	shalt  }
0x47: {  	_ =	shalt  }
0x48: {  	_ =	shalt  }
0x49: {  	_ =	shalt  }
0x4a: {  	_ =	shalt  }
0x4b: {  	_ =	shalt  }
0x4c: {  	_ =	shalt  }
0x4d: {  	_ =	shalt  }
0x4e: {  	_ =	shalt  }
0x4f: {  	_ =	shalt  }
0x50: {  	_ =	shalt  }
0x51: {  	_ =	shalt  }
0x52: {  	_ =	shalt  }
0x53: {  	_ =	shalt  }
0x54: {  	_ =	shalt  }
0x55: {  	_ =	shalt  }
0x56: {  	_ =	shalt  }
0x57: {  	_ =	shalt  }
0x58: {  	_ =	shalt  }
0x59: {  	_ =	shalt  }
0x5a: {  	_ =	shalt  }
0x5b: {  	_ =	shalt  }
0x5c: {  	_ =	shalt  }
0x5d: {  	_ =	shalt  }
0x5e: {  	_ =	shalt  }
0x5f: {  	_ =	shalt  }
0x60: {  	_ =	shalt  }
0x61: {  	_ =	shalt  }
0x62: {  	_ =	shalt  }
0x63: {  	_ =	shalt  }
0x64: {  	_ =	shalt  }
0x65: {  	_ =	shalt  }
0x66: {  	_ =	shalt  }
0x67: {  	_ =	shalt  }
0x68: {  	_ =	shalt  }
0x69: {  	_ =	shalt  }
0x6a: {  	_ =	shalt  }
0x6b: {  	_ =	shalt  }
0x6c: {  	_ =	shalt  }
0x6d: {  	_ =	shalt  }
0x6e: {  	_ =	shalt  }
0x6f: {  	_ =	shalt  }
0x70: {  	_ =	shalt  }
0x71: {  	_ =	shalt  }
0x72: {  	_ =	shalt  }
0x73: {  	_ =	shalt  }
0x74: {  	_ =	shalt  }
0x75: {  	_ =	shalt  }
0x76: {  	_ =	shalt  }
0x77: {  	_ =	shalt  }
0x78: {  	_ =	shalt  }
0x79: {  	_ =	shalt  }
0x7a: {  	_ =	shalt  }
0x7b: {  	_ =	shalt  }
0x7c: {  	_ =	shalt  }
0x7d: {  	_ =	shalt  }
0x7e: {  	_ =	shalt  }
0x7f: {  	_ =	shalt  }
0x80: {  	_ =	shalt  }
0x81: {  	_ =	shalt  }
0x82: {  	_ =	shalt  }
0x83: {  	_ =	shalt  }
0x84: {  	_ =	shalt  }
0x85: {  	_ =	shalt  }
0x86: {  	_ =	shalt  }
0x87: {  	_ =	shalt  }
.Lfunc_end0:
.L_simem_size_0:
called_computation_lowered:
.L_overlay_start_0:
0x88: {  	s2 =	sld [smem:$0x3FD9]  }
0x89: {  	s3 =	sld [smem:$0x3FFE];
	_ =	sdelay $0x1  }
0x8a: {  	s1 =	srdreg.scid  }
0x8b: {  	s0 =	sand.u32 $0x1, s1  }
0x8c: {  	s17 =	sshll.u32 s0, $0xA;
	s2 =	sadd.s32 s3, s2  }
0x8d: {  	s2 =	sadd.s32 s2, s17  }
0x8e: {  	[smem:$0x3FC4] =	sst s2  }
0x8f: {  	_ = 	snop  }
0x90: {  	s2 =	sld [smem:$0x3FC9]  }
0x91: {  	s18 =	sld [smem:$0x3FD0];
	(tm) =	ssettm $0x1  }
0x92: {  	s4 =	sld [smem:$0x3FFB];
	_ =	sdelay $0x3  }
0x93: {  	_ =	strace s4  }
0x94: {  	s4 =	sld [smem:$0x3FFC];
	_ =	sdelay $0x3  }
0x95: {  	_ =	strace s4  }
0x96: {  	s4 =	sld [smem:$0x3FFD];
	_ =	sdelay $0x3  }
0x97: {  	_ =	strace s4  }
0x98: {  	_ =	strace $0x8FFFFFFF  }
0x99: {  	s19 =	sld [smem:$0x3FDB];
	_ =	sdelay $0x1  }
0x9a: {  	s5 =	simm.s32 $_scs_section_size  }
0x9b: {  	s6 =	simm.s32 $_size__tile_overlayer_lowered;
	s7 =	simm.s32 $_tile_overlayer_lowered  }
0x9c: {  	s22 =	simm.s32 $0x1BFF;
	s21 =	sshll.u32 s7, $0x1;
	s4 =	sadd.s32 s5, s19  }
0x9d: {  	s8 =	simm.s32 $0x0;
	s20 =	sshll.u32 s6, $0x1;
	s6 =	sadd.s32 s21, s4  }
0x9e: {  	[timem:s8], [sflag:s22] =	dma.local [hbm:s6], s20  }
0x9f: {  	_ =	swait.ge [sflag:s22], s20  }
0xa0: {  	s5 =	ssub.s32 $0x0, s20;
	[sflag:s22] =	ssyncset.done $0x0  }
0xa1: {  	[sflag:s22] =	ssyncadd.s32 s5;
	_ =	sdelay $0x1  }
0xa2: {  	s23 =	simm.s32 $0x1B8B  }
0xa3: {  	_ =	swait.ge [sflag:s23], $0x1  }
0xa4: {  	[sflag:s23] =	ssyncset.done $0x0  }
0xa5: {  	s25 =	simm.s32 $0x1B8E;
	s24 =	sld [smem:$0x3FFE];
	[sflag:s23] =	ssyncadd.s32 $0xFFFFFFFF  }
0xa6: {  	s26 =	simm.s32 $execute0_lowered;
	[smem:$0x3FD2] =	sst s25  }
0xa7: {  	s6 =	sshll.u32 s26, $0x1;
	_ =	strace $0x80000046;
	[dreg:$0x1] =	wrdreg $0xFFFFFFFF  }
0xa8: {  	s28 =	simm.s32 $_size_execute0_lowered;
	s4 =	sadd.s32 s4, s6;
	[dreg:$0x0] =	wrdreg $0x0  }
0xa9: {  	s6 =	sshll.u32 s28, $0x1;
	[dreg:$0x2] =	wrdreg s4  }
0xaa: {  	[dreg:$0x3] =	wrdreg s6  }
0xab: {  	[dreg:$0x4] =	wrdreg $0xC0  }
0xac: {  	_ =	task [dreg:s8], $0x5FFFF  }
0xad: {  	[dreg:$0x1] =	wrdreg $0xFFFFFFFF  }
0xae: {  	[dreg:$0x0] =	wrdreg $0x60  }
0xaf: {  	[dreg:$0x2] =	wrdreg s24  }
0xb0: {  	[dreg:$0x3] =	wrdreg s2  }
0xb1: {  	[dreg:$0x4] =	wrdreg s18  }
0xb2: {  	[dreg:$0x5] =	wrdreg $0x9  }
0xb3: {  	_ =	task.clear_ibuf [dreg:s8], $0x6FFFF;
	_ =	strace $0x90000046  }
0xb4: {  	s29 =	simm.s32 $0x9;
	_ =	strace $0x80000048  }
0xb5: {  	_ =	swait.ge [sflag:s29], $0x1  }
0xb6: {  	[sflag:s29] =	ssyncadd.s32 $0xFFFFFFFF  }
0xb7: {  	_ =	strace $0x90000048  }
0xb8: {  	_ =	sfence  }
0xb9: {  	s30 =	sld [smem:$0x0];
	_ =	sdelay $0x2  }
0xba: {  	s31 =	sshll.u32 s1, $0xD;
	s1 =	sshrl.u32 s1, $0x2  }
0xbb: {  	s3 =	sand.u32 $0x4000, s31;
	s1 =	sadd.s32 s1, s30  }
0xbc: {  	s0 =	sor.u32 s3, s0;
	s1 =	sshll.u32 s1, $0x11  }
0xbd: {  	s0 =	sor.u32 s1, s0  }
0xbe: {  	s0 =	sadd.s32 $0x8F2B, s0  }
0xbf: {  	[sflag:s0] =	ssyncadd.remote.s32 $0x1  }
0xc0: {  	_ =	sfence.sel $0xFFFF  }
0xc1: {  	[dreg:$0x0] =	wrdreg $0xFFFFFFFF;
	(pc) =	sbr.abs _section_cstart, $3  }
0xc2: {  	[dreg:$0x1] =	wrdreg $0xFFFFFFFF  }
0xc3: {  	_ =	task.clear_ibuf [dreg:s8], $0x2FFFF;
	_ =	strace $0x9FFFFFFF  }
0xc4: {  	(tm) =	ssettm $0x7FFFFFFF  }
0xc5: {  	_ =	shalt  }
tec
execute0_lowered:
.L_overlay_start_1:
0x0: {  	(tag) =	ssettag $0x1  }
0x1: {  	s3 =	rddreg [dreg:$0x0]  }
0x2: {  	s4 =	rddreg [dreg:$0x1]  }
0x3: {  	s5 =	rddreg [dreg:$0x2]  }
0x4: {  	s0 =	rddreg [dreg:$0x3]  }
0x5: {  	s2 =	simm.s32 $0x0;
	s6 =	srdreg.scid;
	s1 =	stileid.u32  }
0x6: {  	s10 =	simm.s32 $0x80;
	s11 =	simm.s32 $0x1;
	s12 =	simm.s32 $0xD400  }
0x7: {  	s13 =	simm.s32 $0x0;
	[smem:$0x7FF] =	sst s2;
	s6 =	sand.u32 $0x1, s6  }
0x8: {  	s8 =	sshll.u32 s1, $0xA;
	s3 =	sadd.s32 $0x600, s3;
	s7 =	ssub.s32 $0x2, s6  }
0x9: {  	_ =	strace $0x80000047;
	s6 =	sshll.u32 s6, $0x9;
	s9 =	sshrl.u32 s7, $0x1  }
0xa: {  	s6 =	sor.u32 s6, s8;
	s8 =	simm.s32 $0x20000;
	s7 =	ssub.s32 s7, s9  }
0xb: {  	s4 =	sadd.s32 s4, s6;
	s6 =	sshrl.u32 s6, $0x3;
	s9 =	simm.s32 $0x2  }
0xc: {  	s5 =	sadd.s32 s5, s6;
	s6 =	smax.u32 s7, $0x1;
	s7 =	simm.s32 $0x1000  }
.LBB2_1:
0xd: {  	[tilespmem:s2], [sflag:$0x2] =	stream.strided.gather [hbm4b:s4+s7], $0x7000, s8, s7, $0x38;
	[tilespmem:$0xD600] =	vst v63  }
0xe: {  	s14 =	simm.s32 $0x0;
	s15 =	sand.u32 $0xC00, s2  }
0xf: {  	s16 =	simm.s32 $0x0;
	_ =	swait.ge [sflag:s9], $0x7000;
	s14 =	sand.u32 $0x7000, s14  }
0x10: {  	s16 =	sand.u32 $0x380, s16;
	[sflag:s9] =	ssyncset.done $0x0;
	s15 =	sor.u32 s15, s14  }
0x11: {  	s14 =	simm.s32 $0x7000;
	[sflag:s9] =	ssyncadd.s32 $0xFFFF9000;
	s15 =	sor.u32 s16, s15  }
0x12: {  	[tilespmem:s14], [sflag:$0x1] =	stream.indirect.gather [hbm4b:s3+s10], $0x1, s15, s10, $0xb8;
	[tilespmem:$0xD600] =	vst v63  }
0x13: {  	s16 =	simm.s32 $0x400;
	s15 =	simm.s32 $0x1  }
.LBB2_2:
0x14: {  	s17 =	sshll.u32 s15, $0x7;
	p0 =	sne.s32 s15, $0xC7  }
0x15: {  	s18 =	smov.u32 s15;
	s15 =	sadd.s32 $0x1, s15;
	s19 =	sand.u32 $0xC00, s16  }
.Ltmp0:
0x16: {  	s17 =	sand.u32 $0x7000, s17;
	s18 =	sshll.u32 s18, $0x5;
	(pc) =	sbr.rel @p0 .LBB2_2-.Ltmp0, $4  }
0x17: {  	s18 =	sand.u32 $0x380, s18;
	s17 =	sor.u32 s19, s17  }
0x18: {  	s14 =	sadd.s32 $0x80, s14;
	s17 =	sor.u32 s18, s17  }
0x19: {  	[tilespmem:s14], [sflag:$0x1] =	stream.indirect.gather [hbm4b:s3+s10], $0x1, s17, s10, $0xb8;
	[tilespmem:$0xD600] =	vst v63  }
0x1a: {  	s16 =	sadd.s32 $0x400, s16  }
0x1b: {  	s14 =	simm.s32 $0xC8  }
.LBB2_4:
0x1c: {  	p0 =	sne.s32 s14, $0x1  }
.Ltmp1:
0x1d: {  	_ = 	snop;
	(pc) =	sbr.rel @p0 .LBB2_4-.Ltmp1, $4  }
0x1e: {  	_ = 	snop  }
0x1f: {  	_ =	swait.ge [sflag:s11], $0x80  }
0x20: {  	[sflag:s11] =	ssyncset.done $0x0  }
0x21: {  	s14 =	sadd.s32 $0xFFFFFFFF, s14;
	[sflag:s11] =	ssyncadd.s32 $0xFFFFFF80  }
0x22: {  	s14 =	simm.s32 $0x7000  }
0x23: {  	s15 =	simm.s32 $0x0;
	v0 =	vld [tilespmem:s14+$0x0]  }
0x24: {  	s31 =	sand.u32 $0x1F0, s15  }
0x25: {  	v1 =	vld [tilespmem:s31+$0x7200];
	_ =	sdelay $0x1  }
0x26: {  	v2 =	vld [tilespmem:s31+$0x7400]  }
0x27: {  	v0 =	vadd.f32 $0.0e+00, v0  }
0x28: {  	v3 =	vld [tilespmem:s31+$0x7600]  }
0x29: {  	v0 =	vadd.f32 v1, v0  }
0x2a: {  	v1 =	vld [tilespmem:s31+$0x7800]  }
0x2b: {  	v0 =	vadd.f32 v2, v0  }
0x2c: {  	v2 =	vld [tilespmem:s31+$0x7A00]  }
0x2d: {  	v0 =	vadd.f32 v3, v0  }
0x2e: {  	v3 =	vld [tilespmem:s31+$0x7C00]  }
0x2f: {  	v0 =	vadd.f32 v1, v0  }
0x30: {  	v1 =	vld [tilespmem:s31+$0x7E00]  }
0x31: {  	v0 =	vadd.f32 v2, v0  }
0x32: {  	v2 =	vld [tilespmem:s31+$0x8000]  }
0x33: {  	v0 =	vadd.f32 v3, v0  }
0x34: {  	v3 =	vld [tilespmem:s31+$0x8200]  }
0x35: {  	v0 =	vadd.f32 v1, v0  }
0x36: {  	v1 =	vld [tilespmem:s31+$0x8400]  }
0x37: {  	v0 =	vadd.f32 v2, v0  }
0x38: {  	v2 =	vld [tilespmem:s31+$0x8600]  }
0x39: {  	v0 =	vadd.f32 v3, v0  }
0x3a: {  	v3 =	vld [tilespmem:s31+$0x8800]  }
0x3b: {  	v0 =	vadd.f32 v1, v0  }
0x3c: {  	v1 =	vld [tilespmem:s31+$0x8A00]  }
0x3d: {  	v0 =	vadd.f32 v2, v0  }
0x3e: {  	v2 =	vld [tilespmem:s31+$0x8C00]  }
0x3f: {  	v0 =	vadd.f32 v3, v0  }
0x40: {  	v3 =	vld [tilespmem:s31+$0x8E00]  }
0x41: {  	v0 =	vadd.f32 v1, v0  }
0x42: {  	v1 =	vld [tilespmem:s31+$0x9000]  }
0x43: {  	v0 =	vadd.f32 v2, v0  }
0x44: {  	v2 =	vld [tilespmem:s31+$0x9200]  }
0x45: {  	v0 =	vadd.f32 v3, v0  }
0x46: {  	v3 =	vld [tilespmem:s31+$0x9400]  }
0x47: {  	v0 =	vadd.f32 v1, v0  }
0x48: {  	v1 =	vld [tilespmem:s31+$0x9600]  }
0x49: {  	v0 =	vadd.f32 v2, v0  }
0x4a: {  	v2 =	vld [tilespmem:s31+$0x9800]  }
0x4b: {  	v0 =	vadd.f32 v3, v0  }
0x4c: {  	v3 =	vld [tilespmem:s31+$0x9A00]  }
0x4d: {  	v0 =	vadd.f32 v1, v0  }
0x4e: {  	v1 =	vld [tilespmem:s31+$0x9C00]  }
0x4f: {  	v0 =	vadd.f32 v2, v0  }
0x50: {  	v2 =	vld [tilespmem:s31+$0x9E00]  }
0x51: {  	v0 =	vadd.f32 v3, v0  }
0x52: {  	v3 =	vld [tilespmem:s31+$0xA000]  }
0x53: {  	v0 =	vadd.f32 v1, v0  }
0x54: {  	v1 =	vld [tilespmem:s31+$0xA200]  }
0x55: {  	v0 =	vadd.f32 v2, v0  }
0x56: {  	v2 =	vld [tilespmem:s31+$0xA400]  }
0x57: {  	v0 =	vadd.f32 v3, v0  }
0x58: {  	v3 =	vld [tilespmem:s31+$0xA600]  }
0x59: {  	v0 =	vadd.f32 v1, v0  }
0x5a: {  	v1 =	vld [tilespmem:s31+$0xA800]  }
0x5b: {  	v0 =	vadd.f32 v2, v0  }
0x5c: {  	v2 =	vld [tilespmem:s31+$0xAA00]  }
0x5d: {  	v0 =	vadd.f32 v3, v0  }
0x5e: {  	v3 =	vld [tilespmem:s31+$0xAC00]  }
0x5f: {  	v0 =	vadd.f32 v1, v0  }
0x60: {  	v1 =	vld [tilespmem:s31+$0xAE00]  }
0x61: {  	v0 =	vadd.f32 v2, v0  }
0x62: {  	v2 =	vld [tilespmem:s31+$0xB000]  }
0x63: {  	v0 =	vadd.f32 v3, v0  }
0x64: {  	v3 =	vld [tilespmem:s31+$0xB200]  }
0x65: {  	v0 =	vadd.f32 v1, v0  }
0x66: {  	v1 =	vld [tilespmem:s31+$0xB400]  }
0x67: {  	v0 =	vadd.f32 v2, v0  }
0x68: {  	v2 =	vld [tilespmem:s31+$0xB600]  }
0x69: {  	v0 =	vadd.f32 v3, v0  }
0x6a: {  	v3 =	vld [tilespmem:s31+$0xB800]  }
0x6b: {  	v0 =	vadd.f32 v1, v0  }
0x6c: {  	v1 =	vld [tilespmem:s31+$0xBA00]  }
0x6d: {  	v0 =	vadd.f32 v2, v0  }
0x6e: {  	v2 =	vld [tilespmem:s31+$0xBC00]  }
0x6f: {  	v0 =	vadd.f32 v3, v0  }
0x70: {  	v3 =	vld [tilespmem:s31+$0xBE00]  }
0x71: {  	v0 =	vadd.f32 v1, v0  }
0x72: {  	v1 =	vld [tilespmem:s31+$0xC000]  }
0x73: {  	v0 =	vadd.f32 v2, v0  }
0x74: {  	v2 =	vld [tilespmem:s31+$0xC200]  }
0x75: {  	v0 =	vadd.f32 v3, v0  }
0x76: {  	v3 =	vld [tilespmem:s31+$0xC400]  }
0x77: {  	v0 =	vadd.f32 v1, v0  }
0x78: {  	v1 =	vld [tilespmem:s31+$0xC600]  }
0x79: {  	v0 =	vadd.f32 v2, v0  }
0x7a: {  	v2 =	vld [tilespmem:s31+$0xC800]  }
0x7b: {  	v0 =	vadd.f32 v3, v0  }
0x7c: {  	v3 =	vld [tilespmem:s31+$0xCA00]  }
0x7d: {  	v0 =	vadd.f32 v1, v0  }
0x7e: {  	v1 =	vld [tilespmem:s31+$0xCC00]  }
0x7f: {  	v0 =	vadd.f32 v2, v0  }
0x80: {  	v2 =	vld [tilespmem:s31+$0xCE00]  }
0x81: {  	v0 =	vadd.f32 v3, v0  }
0x82: {  	v3 =	vld [tilespmem:s31+$0xD000]  }
0x83: {  	v0 =	vadd.f32 v1, v0  }
0x84: {  	v1 =	vld [tilespmem:s31+$0xD200]  }
0x85: {  	v0 =	vadd.f32 v2, v0;
	_ =	sdelay $0x1  }
0x86: {  	v0 =	vadd.f32 v3, v0;
	_ =	sdelay $0x1  }
0x87: {  	v0 =	vadd.f32 v1, v0  }
0x88: {  	s14 =	simm.s32 $0xD400  }
0x89: {  	s15 =	simm.s32 $0x7010;
	[tilespmem:s14+$0x0] =	vst v0  }
0x8a: {  	s16 =	simm.s32 $0x10;
	s17 =	simm.s32 $0x20;
	v0 =	vld [tilespmem:s15+$0x0]  }
.LBB2_6:
0x8b: {  	p0 =	sne.s32 s17, $0x1F0;
	s18 =	sand.u32 $0x1F0, s16;
	s16 =	smov.u32 s17  }
0x8c: {  	v1 =	vld [tilespmem:s18+$0x7200];
	_ =	sdelay $0x1  }
0x8d: {  	v2 =	vld [tilespmem:s18+$0x7400]  }
0x8e: {  	v0 =	vadd.f32 $0.0e+00, v0  }
0x8f: {  	v3 =	vld [tilespmem:s18+$0x7600]  }
0x90: {  	v0 =	vadd.f32 v1, v0  }
0x91: {  	v1 =	vld [tilespmem:s18+$0x7800]  }
0x92: {  	v0 =	vadd.f32 v2, v0  }
0x93: {  	v2 =	vld [tilespmem:s18+$0x7A00]  }
0x94: {  	v0 =	vadd.f32 v3, v0  }
0x95: {  	v3 =	vld [tilespmem:s18+$0x7C00]  }
0x96: {  	v0 =	vadd.f32 v1, v0  }
0x97: {  	v1 =	vld [tilespmem:s18+$0x7E00]  }
0x98: {  	v0 =	vadd.f32 v2, v0  }
0x99: {  	v2 =	vld [tilespmem:s18+$0x8000]  }
0x9a: {  	v0 =	vadd.f32 v3, v0  }
0x9b: {  	v3 =	vld [tilespmem:s18+$0x8200]  }
0x9c: {  	v0 =	vadd.f32 v1, v0  }
0x9d: {  	v1 =	vld [tilespmem:s18+$0x8400]  }
0x9e: {  	v0 =	vadd.f32 v2, v0  }
0x9f: {  	v2 =	vld [tilespmem:s18+$0x8600]  }
0xa0: {  	v0 =	vadd.f32 v3, v0  }
0xa1: {  	v3 =	vld [tilespmem:s18+$0x8800]  }
0xa2: {  	v0 =	vadd.f32 v1, v0  }
0xa3: {  	v1 =	vld [tilespmem:s18+$0x8A00]  }
0xa4: {  	v0 =	vadd.f32 v2, v0  }
0xa5: {  	v2 =	vld [tilespmem:s18+$0x8C00]  }
0xa6: {  	v0 =	vadd.f32 v3, v0  }
0xa7: {  	v3 =	vld [tilespmem:s18+$0x8E00]  }
0xa8: {  	v0 =	vadd.f32 v1, v0  }
0xa9: {  	v1 =	vld [tilespmem:s18+$0x9000]  }
0xaa: {  	v0 =	vadd.f32 v2, v0  }
0xab: {  	v2 =	vld [tilespmem:s18+$0x9200]  }
0xac: {  	v0 =	vadd.f32 v3, v0  }
0xad: {  	v3 =	vld [tilespmem:s18+$0x9400]  }
0xae: {  	v0 =	vadd.f32 v1, v0  }
0xaf: {  	v1 =	vld [tilespmem:s18+$0x9600]  }
0xb0: {  	v0 =	vadd.f32 v2, v0  }
0xb1: {  	v2 =	vld [tilespmem:s18+$0x9800]  }
0xb2: {  	v0 =	vadd.f32 v3, v0  }
0xb3: {  	v3 =	vld [tilespmem:s18+$0x9A00]  }
0xb4: {  	v0 =	vadd.f32 v1, v0  }
0xb5: {  	v1 =	vld [tilespmem:s18+$0x9C00]  }
0xb6: {  	v0 =	vadd.f32 v2, v0  }
0xb7: {  	v2 =	vld [tilespmem:s18+$0x9E00]  }
0xb8: {  	v0 =	vadd.f32 v3, v0  }
0xb9: {  	v3 =	vld [tilespmem:s18+$0xA000]  }
0xba: {  	v0 =	vadd.f32 v1, v0  }
0xbb: {  	v1 =	vld [tilespmem:s18+$0xA200]  }
0xbc: {  	v0 =	vadd.f32 v2, v0  }
0xbd: {  	v2 =	vld [tilespmem:s18+$0xA400]  }
0xbe: {  	v0 =	vadd.f32 v3, v0  }
0xbf: {  	v3 =	vld [tilespmem:s18+$0xA600]  }
0xc0: {  	v0 =	vadd.f32 v1, v0  }
0xc1: {  	v1 =	vld [tilespmem:s18+$0xA800]  }
0xc2: {  	v0 =	vadd.f32 v2, v0  }
0xc3: {  	v2 =	vld [tilespmem:s18+$0xAA00]  }
0xc4: {  	v0 =	vadd.f32 v3, v0  }
0xc5: {  	v3 =	vld [tilespmem:s18+$0xAC00]  }
0xc6: {  	v0 =	vadd.f32 v1, v0  }
0xc7: {  	v1 =	vld [tilespmem:s18+$0xAE00]  }
0xc8: {  	v0 =	vadd.f32 v2, v0  }
0xc9: {  	v2 =	vld [tilespmem:s18+$0xB000]  }
0xca: {  	v0 =	vadd.f32 v3, v0  }
0xcb: {  	v3 =	vld [tilespmem:s18+$0xB200]  }
0xcc: {  	v0 =	vadd.f32 v1, v0  }
0xcd: {  	v1 =	vld [tilespmem:s18+$0xB400]  }
0xce: {  	v0 =	vadd.f32 v2, v0  }
0xcf: {  	v2 =	vld [tilespmem:s18+$0xB600]  }
0xd0: {  	v0 =	vadd.f32 v3, v0  }
0xd1: {  	v3 =	vld [tilespmem:s18+$0xB800]  }
0xd2: {  	v0 =	vadd.f32 v1, v0  }
0xd3: {  	v1 =	vld [tilespmem:s18+$0xBA00]  }
0xd4: {  	v0 =	vadd.f32 v2, v0  }
0xd5: {  	v2 =	vld [tilespmem:s18+$0xBC00]  }
0xd6: {  	v0 =	vadd.f32 v3, v0  }
0xd7: {  	v3 =	vld [tilespmem:s18+$0xBE00]  }
0xd8: {  	v0 =	vadd.f32 v1, v0  }
0xd9: {  	v1 =	vld [tilespmem:s18+$0xC000]  }
0xda: {  	v0 =	vadd.f32 v2, v0  }
0xdb: {  	v2 =	vld [tilespmem:s18+$0xC200]  }
0xdc: {  	v0 =	vadd.f32 v3, v0  }
0xdd: {  	v3 =	vld [tilespmem:s18+$0xC400]  }
0xde: {  	v0 =	vadd.f32 v1, v0  }
0xdf: {  	v1 =	vld [tilespmem:s18+$0xC600]  }
0xe0: {  	v0 =	vadd.f32 v2, v0  }
0xe1: {  	v2 =	vld [tilespmem:s18+$0xC800]  }
0xe2: {  	v0 =	vadd.f32 v3, v0  }
0xe3: {  	v3 =	vld [tilespmem:s18+$0xCA00]  }
0xe4: {  	v0 =	vadd.f32 v1, v0  }
0xe5: {  	v1 =	vld [tilespmem:s18+$0xCC00]  }
0xe6: {  	v0 =	vadd.f32 v2, v0  }
0xe7: {  	v2 =	vld [tilespmem:s18+$0xCE00]  }
0xe8: {  	v0 =	vadd.f32 v3, v0  }
0xe9: {  	v3 =	vld [tilespmem:s18+$0xD000]  }
0xea: {  	v0 =	vadd.f32 v1, v0  }
0xeb: {  	v1 =	vld [tilespmem:s18+$0xD200]  }
0xec: {  	v0 =	vadd.f32 v2, v0;
	_ =	sdelay $0x1  }
0xed: {  	v0 =	vadd.f32 v3, v0  }
.Ltmp2:
0xee: {  	(pc) =	sbr.rel @p0 .LBB2_6-.Ltmp2, $4  }
0xef: {  	v0 =	vadd.f32 v1, v0  }
0xf0: {  	s14 =	sadd.s32 $0x10, s14  }
0xf1: {  	s15 =	sadd.s32 $0x10, s15;
	[tilespmem:s14+$0x0] =	vst v0  }
0xf2: {  	s17 =	sadd.s32 $0x10, s17;
	v0 =	vld [tilespmem:s15+$0x0]  }
0xf3: {  	s15 =	sand.u32 $0x1F0, s16  }
0xf4: {  	v1 =	vld [tilespmem:s15+$0x7200];
	_ =	sdelay $0x1  }
0xf5: {  	v2 =	vld [tilespmem:s15+$0x7400]  }
0xf6: {  	v0 =	vadd.f32 $0.0e+00, v0  }
0xf7: {  	v3 =	vld [tilespmem:s15+$0x7600]  }
0xf8: {  	v0 =	vadd.f32 v1, v0  }
0xf9: {  	v18 =	vld [tilespmem:s15+$0x7800]  }
0xfa: {  	v0 =	vadd.f32 v2, v0  }
0xfb: {  	v19 =	vld [tilespmem:s15+$0x7A00]  }
0xfc: {  	v0 =	vadd.f32 v3, v0  }
0xfd: {  	v20 =	vld [tilespmem:s15+$0x7C00]  }
0xfe: {  	v0 =	vadd.f32 v18, v0  }
0xff: {  	v21 =	vld [tilespmem:s15+$0x7E00]  }
0x100: {  	v0 =	vadd.f32 v19, v0  }
0x101: {  	v22 =	vld [tilespmem:s15+$0x8000]  }
0x102: {  	v0 =	vadd.f32 v20, v0  }
0x103: {  	v23 =	vld [tilespmem:s15+$0x8200]  }
0x104: {  	v0 =	vadd.f32 v21, v0  }
0x105: {  	v24 =	vld [tilespmem:s15+$0x8400]  }
0x106: {  	v0 =	vadd.f32 v22, v0  }
0x107: {  	v25 =	vld [tilespmem:s15+$0x8600]  }
0x108: {  	v0 =	vadd.f32 v23, v0  }
0x109: {  	v26 =	vld [tilespmem:s15+$0x8800]  }
0x10a: {  	v0 =	vadd.f32 v24, v0  }
0x10b: {  	v27 =	vld [tilespmem:s15+$0x8A00]  }
0x10c: {  	v0 =	vadd.f32 v25, v0  }
0x10d: {  	v28 =	vld [tilespmem:s15+$0x8C00]  }
0x10e: {  	v0 =	vadd.f32 v26, v0  }
0x10f: {  	v29 =	vld [tilespmem:s15+$0x8E00]  }
0x110: {  	v0 =	vadd.f32 v27, v0  }
0x111: {  	v30 =	vld [tilespmem:s15+$0x9000]  }
0x112: {  	v0 =	vadd.f32 v28, v0  }
0x113: {  	v31 =	vld [tilespmem:s15+$0x9200]  }
0x114: {  	v0 =	vadd.f32 v29, v0  }
0x115: {  	v32 =	vld [tilespmem:s15+$0x9400]  }
0x116: {  	v0 =	vadd.f32 v30, v0  }
0x117: {  	v33 =	vld [tilespmem:s15+$0x9600]  }
0x118: {  	v0 =	vadd.f32 v31, v0  }
0x119: {  	v34 =	vld [tilespmem:s15+$0x9800]  }
0x11a: {  	v0 =	vadd.f32 v32, v0  }
0x11b: {  	v35 =	vld [tilespmem:s15+$0x9A00]  }
0x11c: {  	v0 =	vadd.f32 v33, v0  }
0x11d: {  	v36 =	vld [tilespmem:s15+$0x9C00]  }
0x11e: {  	v0 =	vadd.f32 v34, v0  }
0x11f: {  	v37 =	vld [tilespmem:s15+$0x9E00]  }
0x120: {  	v0 =	vadd.f32 v35, v0  }
0x121: {  	v38 =	vld [tilespmem:s15+$0xA000]  }
0x122: {  	v0 =	vadd.f32 v36, v0  }
0x123: {  	v39 =	vld [tilespmem:s15+$0xA200]  }
0x124: {  	v0 =	vadd.f32 v37, v0  }
0x125: {  	v40 =	vld [tilespmem:s15+$0xA400]  }
0x126: {  	v0 =	vadd.f32 v38, v0  }
0x127: {  	v41 =	vld [tilespmem:s15+$0xA600]  }
0x128: {  	v0 =	vadd.f32 v39, v0  }
0x129: {  	v42 =	vld [tilespmem:s15+$0xA800]  }
0x12a: {  	v0 =	vadd.f32 v40, v0  }
0x12b: {  	v43 =	vld [tilespmem:s15+$0xAA00]  }
0x12c: {  	v0 =	vadd.f32 v41, v0  }
0x12d: {  	v44 =	vld [tilespmem:s15+$0xAC00]  }
0x12e: {  	v0 =	vadd.f32 v42, v0  }
0x12f: {  	v45 =	vld [tilespmem:s15+$0xAE00]  }
0x130: {  	v0 =	vadd.f32 v43, v0  }
0x131: {  	v46 =	vld [tilespmem:s15+$0xB000]  }
0x132: {  	v0 =	vadd.f32 v44, v0  }
0x133: {  	v47 =	vld [tilespmem:s15+$0xB200]  }
0x134: {  	v0 =	vadd.f32 v45, v0  }
0x135: {  	v48 =	vld [tilespmem:s15+$0xB400]  }
0x136: {  	v0 =	vadd.f32 v46, v0  }
0x137: {  	v49 =	vld [tilespmem:s15+$0xB600]  }
0x138: {  	v0 =	vadd.f32 v47, v0  }
0x139: {  	v50 =	vld [tilespmem:s15+$0xB800]  }
0x13a: {  	v0 =	vadd.f32 v48, v0  }
0x13b: {  	v51 =	vld [tilespmem:s15+$0xBA00]  }
0x13c: {  	v0 =	vadd.f32 v49, v0  }
0x13d: {  	v52 =	vld [tilespmem:s15+$0xBC00]  }
0x13e: {  	v0 =	vadd.f32 v50, v0  }
0x13f: {  	v53 =	vld [tilespmem:s15+$0xBE00]  }
0x140: {  	v0 =	vadd.f32 v51, v0  }
0x141: {  	v54 =	vld [tilespmem:s15+$0xC000]  }
0x142: {  	v0 =	vadd.f32 v52, v0  }
0x143: {  	v55 =	vld [tilespmem:s15+$0xC200]  }
0x144: {  	v0 =	vadd.f32 v53, v0  }
0x145: {  	v56 =	vld [tilespmem:s15+$0xC400]  }
0x146: {  	v0 =	vadd.f32 v54, v0  }
0x147: {  	v57 =	vld [tilespmem:s15+$0xC600]  }
0x148: {  	v0 =	vadd.f32 v55, v0  }
0x149: {  	v58 =	vld [tilespmem:s15+$0xC800]  }
0x14a: {  	v0 =	vadd.f32 v56, v0  }
0x14b: {  	v59 =	vld [tilespmem:s15+$0xCA00]  }
0x14c: {  	v0 =	vadd.f32 v57, v0  }
0x14d: {  	v60 =	vld [tilespmem:s15+$0xCC00]  }
0x14e: {  	v0 =	vadd.f32 v58, v0  }
0x14f: {  	v61 =	vld [tilespmem:s15+$0xCE00]  }
0x150: {  	v0 =	vadd.f32 v59, v0  }
0x151: {  	v62 =	vld [tilespmem:s15+$0xD000]  }
0x152: {  	v0 =	vadd.f32 v60, v0  }
0x153: {  	v63 =	vld [tilespmem:s15+$0xD200]  }
0x154: {  	v0 =	vadd.f32 v61, v0;
	_ =	sdelay $0x1  }
0x155: {  	v0 =	vadd.f32 v62, v0;
	_ =	sdelay $0x1  }
0x156: {  	s13 =	sadd.s32 $0x1, s13;
	v0 =	vadd.f32 v63, v0  }
0x157: {  	s14 =	sadd.s32 $0x10, s14;
	p0 =	sne.s32 s13, s6  }
.Ltmp3:
0x158: {  	[tilespmem:s14+$0x0] =	vst v0;
	(pc) =	sbr.rel @p0 .LBB2_1-.Ltmp3, $4  }
0x159: {  	[hbm4b:s5+s2] =	stream.linear.scatter [tilespmem:s12], [sflag:$0x2], $0x200, $0x38;
	[tilespmem:$0xD600] =	vst v63  }
0x15a: {  	_ =	swait.ge [sflag:s9], $0x200  }
0x15b: {  	[sflag:s9] =	ssyncset.done $0x0  }
0x15c: {  	[sflag:s9] =	ssyncadd.s32 $0xFFFFFE00  }
0x15d: {  	_ =	sfence.sel $0x180000  }
0x15e: {  	[bflag:$0x0] =	sbarrier.arrive $0xFFFF  }
0x15f: {  	p0 =	sne.s32 s1, $0x0;
	_ =	strace $0x90000047  }
0x160: {  	s0 =	sadd.s32 @!p0 $0x100000, s0;
	[bflag:$0x2] =	sbarrier.arrive $0xFFFF  }
0x161: {  	[sflag:s0] =	ssyncadd.tile.s32 @!p0 $0x1;
	_ =	shalt  }
.Lfunc_end2:
_tile_overlayer_lowered:
.L_overlay_start_2:
0x162: {  	(tag) =	ssettag $0x2  }
0x163: {  	s0 =	rddreg [dreg:$0x0];
	s2 =	stileid.u32  }
0x164: {  	s1 =	rddreg [dreg:$0x1];
	p0 =	sne.s32 s2, $0x0  }
0x165: {  	s3 =	rddreg [dreg:$0x2];
	[bflag:$0x3] =	sbarrier.arrive $0xFFFF;
	s2 =	simm.s32 @!p0 $0x1C02  }
0x166: {  	[timem:s3], [sflag:s2] =	dma.local @!p0 [hbm:s0], s1  }
0x167: {  	s0 =	simm.s32 @!p0 $0x2  }
0x168: {  	_ =	swait.ge @!p0 [sflag:s0], s1  }
0x169: {  	s1 =	ssub.s32 @!p0 $0x0, s1;
	[sflag:s0] =	ssyncset.done @!p0 $0x0  }
0x16a: {  	[sflag:s0] =	ssyncadd.s32 @!p0 s1  }
0x16b: {  	[bflag:$0x3] =	sbarrier.arrive $0xFFFF  }
0x16c: {  	_ =	shalt  }

</sc_bundles>
